<compile_context>
chip_gen: v7x
topology: tpu7x:2x2x1
jax: 0.10.2.dev20260603
libtpu: 0.0.44.dev20260713+nightly
codegen_flags: <defaults>
</compile_context>

<pallas_src>
import functools

import jax
import jax.numpy as jnp
from jax import lax
from jax.experimental import pallas as pl
from jax.experimental.pallas import tpu as pltpu
from jax.experimental.pallas import tpu_sc as plsc

_NUM_VOICES = 1000
_MAX_LENGTH = 510
_STYLE_DIM = 256
_BATCH = 16384

_NC, _NS = 2, 16
_NW = _NC * _NS
_BPW = _BATCH // _NW
_CHUNK = 32
_NCHUNK = _BPW // _CHUNK
_NBUF = 12
_IPC = _CHUNK // 16


def _build_sc_gather():
    mesh = plsc.VectorSubcoreMesh(core_axis_name="c", subcore_axis_name="s")

    @functools.partial(
        pl.kernel,
        mesh=mesh,
        compiler_params=pltpu.CompilerParams(use_tc_tiling_on_sc=True),
        out_type=jax.ShapeDtypeStruct((_BATCH, _STYLE_DIM), jnp.float32),
        scratch_types=[
            pltpu.VMEM((_BPW,), jnp.int32),
            pltpu.VMEM((_BPW,), jnp.int32),
            pltpu.VMEM((_BPW,), jnp.int32),
        ]
        + [pltpu.VMEM((_CHUNK, _STYLE_DIM), jnp.float32) for _ in range(_NBUF)]
        + [pltpu.SemaphoreType.DMA for _ in range(2 * _NBUF + 2)],
    )
    def sc_gather(table_hbm, vid_hbm, len_hbm, out_hbm,
                  vid_v, len_v, idx_v, *bufs_and_sems):
        bufs = bufs_and_sems[:_NBUF]
        gsems = bufs_and_sems[_NBUF:2 * _NBUF]
        osems = bufs_and_sems[2 * _NBUF:3 * _NBUF]
        vsem, lsem = bufs_and_sems[3 * _NBUF:]

        wid = lax.axis_index("s") * _NC + lax.axis_index("c")
        base = wid * _BPW
        hv = pltpu.async_copy(vid_hbm.at[pl.ds(base, _BPW)], vid_v, vsem)
        hl = pltpu.async_copy(len_hbm.at[pl.ds(base, _BPW)], len_v, lsem)
        hv.wait()
        hl.wait()

        def compute_idx(c):
            for i in range(c * _IPC, (c + 1) * _IPC):
                sl = pl.ds(i * 16, 16)
                ln = len_v[sl]
                idx = jnp.minimum(jnp.maximum(ln, 1), _MAX_LENGTH) - 1
                idx_v[sl] = idx * _NUM_VOICES + vid_v[sl]

        def gather(c):
            return pltpu.async_copy(
                table_hbm.at[idx_v.at[pl.ds(c * _CHUNK, _CHUNK)]],
                bufs[c % _NBUF], gsems[c % _NBUF])

        def flush(c):
            return pltpu.async_copy(
                bufs[c % _NBUF], out_hbm.at[pl.ds(base + c * _CHUNK, _CHUNK)],
                osems[c % _NBUF])

        gh = [None] * _NCHUNK
        oh = [None] * _NCHUNK
        for c in range(_NBUF):
            compute_idx(c)
            gh[c] = gather(c)
        for c in range(_NBUF, _NCHUNK):
            compute_idx(c)
        for c in range(_NCHUNK):
            gh[c].wait()
            oh[c] = flush(c)
            n = c + _NBUF - 1
            if _NBUF <= n < _NCHUNK:
                oh[n - _NBUF].wait()
                gh[n] = gather(n)
        for c in range(_NCHUNK - _NBUF, _NCHUNK):
            oh[c].wait()

    return sc_gather


_SC_GATHER = _build_sc_gather()


def kernel(voice_ids, phoneme_lengths, table):
    table_t = jnp.transpose(table, (1, 0, 2))
    table2d = table_t.reshape(_MAX_LENGTH * _NUM_VOICES, _STYLE_DIM)
    return _SC_GATHER(table2d, voice_ids, phoneme_lengths)

# --- scband reference (transcript-rebuilt; emitter-appended) ---
"""Pipeline reference for scband-trainable-voicepack-table-50766513438748 (READ-ONLY COPY).

The authoritative reference and input builder live on the scoring server;
editing this copy changes nothing except your own understanding.
"""

import jax, jax.numpy as jnp
import numpy as np

NUM_VOICES = 1000
MAX_LENGTH = 510
STYLE_DIM = 256
BATCH = 16384


def setup_inputs(seed: int = 0) -> dict:
    key = jax.random.key(seed)
    k1, k2, k3 = jax.random.split(key, 3)
    voice_ids = jax.random.randint(k1, (BATCH,), 0, NUM_VOICES, dtype=jnp.int32)
    phoneme_lengths = jax.random.randint(k2, (BATCH,), 0, MAX_LENGTH, dtype=jnp.int32)
    table = 0.02 * jax.random.normal(k3, (NUM_VOICES, MAX_LENGTH, STYLE_DIM), dtype=jnp.float32)
    return {"voice_ids": voice_ids, "phoneme_lengths": phoneme_lengths, "table": table}


def reference(voice_ids, phoneme_lengths, table):
    # idx = phoneme_lengths.clamp(min=1, max=max_length) - 1
    idx = jnp.clip(phoneme_lengths, 1, MAX_LENGTH) - 1
    # fancy 2-axis gather: table[voice_ids, idx] -> [B, style_dim]
    return table[voice_ids, idx]

if __name__ == "__main__":
    import jax
    _d = setup_inputs()
    print(jax.jit(kernel)(*tuple(_d.values())))

</pallas_src>

<mosaic_0001>
#map = affine_map<(d0, d1) -> (0, 0)>
#map1 = affine_map<(d0, d1) -> (0)>
module attributes {stable_mosaic.version = 14 : i64} {
  func.func @sc_gather(%arg0: i32, %arg1: i32, %arg2: memref<510000x256xf32, #tpu.memory_space<hbm>>, %arg3: memref<16384xi32, #tpu.memory_space<hbm>>, %arg4: memref<16384xi32, #tpu.memory_space<hbm>>, %arg5: memref<16384x256xf32, #tpu.memory_space<hbm>>, %arg6: memref<512xi32, #tpu.memory_space<vmem>>, %arg7: memref<512xi32, #tpu.memory_space<vmem>>, %arg8: memref<512xi32, #tpu.memory_space<vmem>>, %arg9: memref<32x256xf32, #tpu.memory_space<vmem>>, %arg10: memref<32x256xf32, #tpu.memory_space<vmem>>, %arg11: memref<32x256xf32, #tpu.memory_space<vmem>>, %arg12: memref<32x256xf32, #tpu.memory_space<vmem>>, %arg13: memref<32x256xf32, #tpu.memory_space<vmem>>, %arg14: memref<32x256xf32, #tpu.memory_space<vmem>>, %arg15: memref<32x256xf32, #tpu.memory_space<vmem>>, %arg16: memref<32x256xf32, #tpu.memory_space<vmem>>, %arg17: memref<32x256xf32, #tpu.memory_space<vmem>>, %arg18: memref<32x256xf32, #tpu.memory_space<vmem>>, %arg19: memref<32x256xf32, #tpu.memory_space<vmem>>, %arg20: memref<32x256xf32, #tpu.memory_space<vmem>>, %arg21: memref<!tpu.dma_semaphore, #tpu.memory_space<semaphore_mem>>, %arg22: memref<!tpu.dma_semaphore, #tpu.memory_space<semaphore_mem>>, %arg23: memref<!tpu.dma_semaphore, #tpu.memory_space<semaphore_mem>>, %arg24: memref<!tpu.dma_semaphore, #tpu.memory_space<semaphore_mem>>, %arg25: memref<!tpu.dma_semaphore, #tpu.memory_space<semaphore_mem>>, %arg26: memref<!tpu.dma_semaphore, #tpu.memory_space<semaphore_mem>>, %arg27: memref<!tpu.dma_semaphore, #tpu.memory_space<semaphore_mem>>, %arg28: memref<!tpu.dma_semaphore, #tpu.memory_space<semaphore_mem>>, %arg29: memref<!tpu.dma_semaphore, #tpu.memory_space<semaphore_mem>>, %arg30: memref<!tpu.dma_semaphore, #tpu.memory_space<semaphore_mem>>, %arg31: memref<!tpu.dma_semaphore, #tpu.memory_space<semaphore_mem>>, %arg32: memref<!tpu.dma_semaphore, #tpu.memory_space<semaphore_mem>>, %arg33: memref<!tpu.dma_semaphore, #tpu.memory_space<semaphore_mem>>, %arg34: memref<!tpu.dma_semaphore, #tpu.memory_space<semaphore_mem>>, %arg35: memref<!tpu.dma_semaphore, #tpu.memory_space<semaphore_mem>>, %arg36: memref<!tpu.dma_semaphore, #tpu.memory_space<semaphore_mem>>, %arg37: memref<!tpu.dma_semaphore, #tpu.memory_space<semaphore_mem>>, %arg38: memref<!tpu.dma_semaphore, #tpu.memory_space<semaphore_mem>>, %arg39: memref<!tpu.dma_semaphore, #tpu.memory_space<semaphore_mem>>, %arg40: memref<!tpu.dma_semaphore, #tpu.memory_space<semaphore_mem>>, %arg41: memref<!tpu.dma_semaphore, #tpu.memory_space<semaphore_mem>>, %arg42: memref<!tpu.dma_semaphore, #tpu.memory_space<semaphore_mem>>, %arg43: memref<!tpu.dma_semaphore, #tpu.memory_space<semaphore_mem>>, %arg44: memref<!tpu.dma_semaphore, #tpu.memory_space<semaphore_mem>>, %arg45: memref<!tpu.dma_semaphore, #tpu.memory_space<semaphore_mem>>, %arg46: memref<!tpu.dma_semaphore, #tpu.memory_space<semaphore_mem>>) attributes {dimension_semantics = [#tpu.dimension_semantics<core_parallel>, #tpu.dimension_semantics<subcore_parallel>], iteration_bounds = array<i64: 2, 16>, scalar_prefetch = 0 : i64, scratch_operands = 41 : i64, tpu.core_type = #tpu.core_type<sc_vector_subcore>, window_params = [{transform_indices = #map}, {transform_indices = #map1}, {transform_indices = #map1}, {transform_indices = #map}]} {
    %mul3A = arith.constant 2 : i32
    %mul3A_0 = arith.muli %arg1, %mul3A : i32
    %add3A = arith.addi %mul3A_0, %arg0 : i32
    %mul3A_1 = arith.constant 512 : i32
    %mul3A_2 = arith.muli %add3A, %mul3A_1 : i32
    %dma_start3A = tpu.memref_slice %arg3[%mul3A_2] : memref<16384xi32, #tpu.memory_space<hbm>> -> memref<512xi32, #tpu.memory_space<hbm>>
    %dma_start3A_3 = tpu.memref_slice %arg3[%mul3A_2] : memref<16384xi32, #tpu.memory_space<hbm>> -> memref<512xi32, #tpu.memory_space<hbm>>
    tpu.enqueue_dma source(%dma_start3A_3 : memref<512xi32, #tpu.memory_space<hbm>>) target(%arg6 : memref<512xi32, #tpu.memory_space<vmem>>) target_semaphore(%arg45 : memref<!tpu.dma_semaphore, #tpu.memory_space<semaphore_mem>>)
    %dma_start3A_4 = tpu.memref_slice %arg4[%mul3A_2] : memref<16384xi32, #tpu.memory_space<hbm>> -> memref<512xi32, #tpu.memory_space<hbm>>
    %dma_start3A_5 = tpu.memref_slice %arg4[%mul3A_2] : memref<16384xi32, #tpu.memory_space<hbm>> -> memref<512xi32, #tpu.memory_space<hbm>>
    tpu.enqueue_dma source(%dma_start3A_5 : memref<512xi32, #tpu.memory_space<hbm>>) target(%arg7 : memref<512xi32, #tpu.memory_space<vmem>>) target_semaphore(%arg46 : memref<!tpu.dma_semaphore, #tpu.memory_space<semaphore_mem>>)
    %dma_wait3A = tpu.memref_slice %arg3[%mul3A_2] : memref<16384xi32, #tpu.memory_space<hbm>> -> memref<512xi32, #tpu.memory_space<hbm>>
    %dma_wait3A_6 = tpu.memref_slice %arg3[%mul3A_2] : memref<16384xi32, #tpu.memory_space<hbm>> -> memref<512xi32, #tpu.memory_space<hbm>>
    tpu.wait_dma2 semaphore(%arg45 : memref<!tpu.dma_semaphore, #tpu.memory_space<semaphore_mem>>) src(%dma_wait3A_6 : memref<512xi32, #tpu.memory_space<hbm>>) dst(%arg6 : memref<512xi32, #tpu.memory_space<vmem>>)
    %dma_wait3A_7 = tpu.memref_slice %arg4[%mul3A_2] : memref<16384xi32, #tpu.memory_space<hbm>> -> memref<512xi32, #tpu.memory_space<hbm>>
    %dma_wait3A_8 = tpu.memref_slice %arg4[%mul3A_2] : memref<16384xi32, #tpu.memory_space<hbm>> -> memref<512xi32, #tpu.memory_space<hbm>>
    tpu.wait_dma2 semaphore(%arg46 : memref<!tpu.dma_semaphore, #tpu.memory_space<semaphore_mem>>) src(%dma_wait3A_8 : memref<512xi32, #tpu.memory_space<hbm>>) dst(%arg7 : memref<512xi32, #tpu.memory_space<vmem>>)
    %get3A = arith.constant 0 : index
    %get3A_9 = tpu.vector_load %arg7[%get3A] {strides = array<i32>} : memref<512xi32, #tpu.memory_space<vmem>>, vector<16xi32>,
    %get3A_10 = vector.shape_cast %get3A_9 : vector<16xi32> to vector<16xi32>
    %max3A = arith.constant 1 : i32
    %max3A_11 = vector.broadcast %max3A : i32 to vector<16xi32>
    %max3A_12 = arith.maxsi %get3A_10, %max3A_11 : vector<16xi32>
    %min3A = arith.constant 510 : i32
    %min3A_13 = vector.broadcast %min3A : i32 to vector<16xi32>
    %min3A_14 = arith.minsi %max3A_12, %min3A_13 : vector<16xi32>
    %sub3A = arith.constant 1 : i32
    %sub3A_15 = vector.broadcast %sub3A : i32 to vector<16xi32>
    %sub3A_16 = arith.subi %min3A_14, %sub3A_15 : vector<16xi32>
    %mul3A_17 = arith.constant 1000 : i32
    %mul3A_18 = vector.broadcast %mul3A_17 : i32 to vector<16xi32>
    %mul3A_19 = arith.muli %sub3A_16, %mul3A_18 : vector<16xi32>
    %get3A_20 = arith.constant 0 : index
    %get3A_21 = tpu.vector_load %arg6[%get3A_20] {strides = array<i32>} : memref<512xi32, #tpu.memory_space<vmem>>, vector<16xi32>,
    %get3A_22 = vector.shape_cast %get3A_21 : vector<16xi32> to vector<16xi32>
    %add3A_23 = arith.addi %mul3A_19, %get3A_22 : vector<16xi32>
    %swap3A = arith.constant 0 : index
    %swap3A_24 = tpu.vector_load %arg8[%swap3A] {strides = array<i32>} : memref<512xi32, #tpu.memory_space<vmem>>, vector<16xi32>,
    %swap3A_25 = vector.shape_cast %swap3A_24 : vector<16xi32> to vector<16xi32>
    %swap3A_26 = vector.shape_cast %add3A_23 : vector<16xi32> to vector<16xi32>
    tpu.vector_store %arg8[%swap3A], %swap3A_26 {strides = array<i32>} : memref<512xi32, #tpu.memory_space<vmem>>, vector<16xi32>,
    %get3A_27 = arith.constant 16 : index
    %get3A_28 = tpu.vector_load %arg7[%get3A_27] {strides = array<i32>} : memref<512xi32, #tpu.memory_space<vmem>>, vector<16xi32>,
    %get3A_29 = vector.shape_cast %get3A_28 : vector<16xi32> to vector<16xi32>
    %max3A_30 = arith.constant 1 : i32
    %max3A_31 = vector.broadcast %max3A_30 : i32 to vector<16xi32>
    %max3A_32 = arith.maxsi %get3A_29, %max3A_31 : vector<16xi32>
    %min3A_33 = arith.constant 510 : i32
    %min3A_34 = vector.broadcast %min3A_33 : i32 to vector<16xi32>
    %min3A_35 = arith.minsi %max3A_32, %min3A_34 : vector<16xi32>
    %sub3A_36 = arith.constant 1 : i32
    %sub3A_37 = vector.broadcast %sub3A_36 : i32 to vector<16xi32>
    %sub3A_38 = arith.subi %min3A_35, %sub3A_37 : vector<16xi32>
    %mul3A_39 = arith.constant 1000 : i32
    %mul3A_40 = vector.broadcast %mul3A_39 : i32 to vector<16xi32>
    %mul3A_41 = arith.muli %sub3A_38, %mul3A_40 : vector<16xi32>
    %get3A_42 = arith.constant 16 : index
    %get3A_43 = tpu.vector_load %arg6[%get3A_42] {strides = array<i32>} : memref<512xi32, #tpu.memory_space<vmem>>, vector<16xi32>,
    %get3A_44 = vector.shape_cast %get3A_43 : vector<16xi32> to vector<16xi32>
    %add3A_45 = arith.addi %mul3A_41, %get3A_44 : vector<16xi32>
    %swap3A_46 = arith.constant 16 : index
    %swap3A_47 = tpu.vector_load %arg8[%swap3A_46] {strides = array<i32>} : memref<512xi32, #tpu.memory_space<vmem>>, vector<16xi32>,
    %swap3A_48 = vector.shape_cast %swap3A_47 : vector<16xi32> to vector<16xi32>
    %swap3A_49 = vector.shape_cast %add3A_45 : vector<16xi32> to vector<16xi32>
    tpu.vector_store %arg8[%swap3A_46], %swap3A_49 {strides = array<i32>} : memref<512xi32, #tpu.memory_space<vmem>>, vector<16xi32>,
    %dma_start3A_50 = arith.constant 0 : i32
    %dma_start3A_51 = tpu.memref_slice %arg8[%dma_start3A_50] : memref<512xi32, #tpu.memory_space<vmem>> -> memref<32xi32, #tpu.memory_space<vmem>>
    %dma_start3A_52 = arith.constant 0 : i32
    %dma_start3A_53 = arith.constant 0 : i32
    %dma_start3A_54 = tpu.memref_slice %arg2[%dma_start3A_52, %dma_start3A_53] : memref<510000x256xf32, #tpu.memory_space<hbm>> -> memref<510000x256xf32, #tpu.memory_space<hbm>>
    tpu.enqueue_indirect_dma source(%dma_start3A_54 : memref<510000x256xf32, #tpu.memory_space<hbm>>) target(%arg9 : memref<32x256xf32, #tpu.memory_space<vmem>>) offsets(%dma_start3A_51 : memref<32xi32, #tpu.memory_space<vmem>>) semaphore(%arg21 : memref<!tpu.dma_semaphore, #tpu.memory_space<semaphore_mem>>)
    %get3A_55 = arith.constant 32 : index
    %get3A_56 = tpu.vector_load %arg7[%get3A_55] {strides = array<i32>} : memref<512xi32, #tpu.memory_space<vmem>>, vector<16xi32>,
    %get3A_57 = vector.shape_cast %get3A_56 : vector<16xi32> to vector<16xi32>
    %max3A_58 = arith.constant 1 : i32
    %max3A_59 = vector.broadcast %max3A_58 : i32 to vector<16xi32>
    %max3A_60 = arith.maxsi %get3A_57, %max3A_59 : vector<16xi32>
    %min3A_61 = arith.constant 510 : i32
    %min3A_62 = vector.broadcast %min3A_61 : i32 to vector<16xi32>
    %min3A_63 = arith.minsi %max3A_60, %min3A_62 : vector<16xi32>
    %sub3A_64 = arith.constant 1 : i32
    %sub3A_65 = vector.broadcast %sub3A_64 : i32 to vector<16xi32>
    %sub3A_66 = arith.subi %min3A_63, %sub3A_65 : vector<16xi32>
    %mul3A_67 = arith.constant 1000 : i32
    %mul3A_68 = vector.broadcast %mul3A_67 : i32 to vector<16xi32>
    %mul3A_69 = arith.muli %sub3A_66, %mul3A_68 : vector<16xi32>
    %get3A_70 = arith.constant 32 : index
    %get3A_71 = tpu.vector_load %arg6[%get3A_70] {strides = array<i32>} : memref<512xi32, #tpu.memory_space<vmem>>, vector<16xi32>,
    %get3A_72 = vector.shape_cast %get3A_71 : vector<16xi32> to vector<16xi32>
    %add3A_73 = arith.addi %mul3A_69, %get3A_72 : vector<16xi32>
    %swap3A_74 = arith.constant 32 : index
    %swap3A_75 = tpu.vector_load %arg8[%swap3A_74] {strides = array<i32>} : memref<512xi32, #tpu.memory_space<vmem>>, vector<16xi32>,
    %swap3A_76 = vector.shape_cast %swap3A_75 : vector<16xi32> to vector<16xi32>
    %swap3A_77 = vector.shape_cast %add3A_73 : vector<16xi32> to vector<16xi32>
    tpu.vector_store %arg8[%swap3A_74], %swap3A_77 {strides = array<i32>} : memref<512xi32, #tpu.memory_space<vmem>>, vector<16xi32>,
    %get3A_78 = arith.constant 48 : index
    %get3A_79 = tpu.vector_load %arg7[%get3A_78] {strides = array<i32>} : memref<512xi32, #tpu.memory_space<vmem>>, vector<16xi32>,
    %get3A_80 = vector.shape_cast %get3A_79 : vector<16xi32> to vector<16xi32>
    %max3A_81 = arith.constant 1 : i32
    %max3A_82 = vector.broadcast %max3A_81 : i32 to vector<16xi32>
    %max3A_83 = arith.maxsi %get3A_80, %max3A_82 : vector<16xi32>
    %min3A_84 = arith.constant 510 : i32
    %min3A_85 = vector.broadcast %min3A_84 : i32 to vector<16xi32>
    %min3A_86 = arith.minsi %max3A_83, %min3A_85 : vector<16xi32>
    %sub3A_87 = arith.constant 1 : i32
    %sub3A_88 = vector.broadcast %sub3A_87 : i32 to vector<16xi32>
    %sub3A_89 = arith.subi %min3A_86, %sub3A_88 : vector<16xi32>
    %mul3A_90 = arith.constant 1000 : i32
    %mul3A_91 = vector.broadcast %mul3A_90 : i32 to vector<16xi32>
    %mul3A_92 = arith.muli %sub3A_89, %mul3A_91 : vector<16xi32>
    %get3A_93 = arith.constant 48 : index
    %get3A_94 = tpu.vector_load %arg6[%get3A_93] {strides = array<i32>} : memref<512xi32, #tpu.memory_space<vmem>>, vector<16xi32>,
    %get3A_95 = vector.shape_cast %get3A_94 : vector<16xi32> to vector<16xi32>
    %add3A_96 = arith.addi %mul3A_92, %get3A_95 : vector<16xi32>
    %swap3A_97 = arith.constant 48 : index
    %swap3A_98 = tpu.vector_load %arg8[%swap3A_97] {strides = array<i32>} : memref<512xi32, #tpu.memory_space<vmem>>, vector<16xi32>,
    %swap3A_99 = vector.shape_cast %swap3A_98 : vector<16xi32> to vector<16xi32>
    %swap3A_100 = vector.shape_cast %add3A_96 : vector<16xi32> to vector<16xi32>
    tpu.vector_store %arg8[%swap3A_97], %swap3A_100 {strides = array<i32>} : memref<512xi32, #tpu.memory_space<vmem>>, vector<16xi32>,
    %dma_start3A_101 = arith.constant 32 : i32
    %dma_start3A_102 = tpu.memref_slice %arg8[%dma_start3A_101] : memref<512xi32, #tpu.memory_space<vmem>> -> memref<32xi32, #tpu.memory_space<vmem>>
    %dma_start3A_103 = arith.constant 0 : i32
    %dma_start3A_104 = arith.constant 0 : i32
    %dma_start3A_105 = tpu.memref_slice %arg2[%dma_start3A_103, %dma_start3A_104] : memref<510000x256xf32, #tpu.memory_space<hbm>> -> memref<510000x256xf32, #tpu.memory_space<hbm>>
    tpu.enqueue_indirect_dma source(%dma_start3A_105 : memref<510000x256xf32, #tpu.memory_space<hbm>>) target(%arg10 : memref<32x256xf32, #tpu.memory_space<vmem>>) offsets(%dma_start3A_102 : memref<32xi32, #tpu.memory_space<vmem>>) semaphore(%arg22 : memref<!tpu.dma_semaphore, #tpu.memory_space<semaphore_mem>>)
    %get3A_106 = arith.constant 64 : index
    %get3A_107 = tpu.vector_load %arg7[%get3A_106] {strides = array<i32>} : memref<512xi32, #tpu.memory_space<vmem>>, vector<16xi32>,
    %get3A_108 = vector.shape_cast %get3A_107 : vector<16xi32> to vector<16xi32>
    %max3A_109 = arith.constant 1 : i32
    %max3A_110 = vector.broadcast %max3A_109 : i32 to vector<16xi32>
    %max3A_111 = arith.maxsi %get3A_108, %max3A_110 : vector<16xi32>
    %min3A_112 = arith.constant 510 : i32
    %min3A_113 = vector.broadcast %min3A_112 : i32 to vector<16xi32>
    %min3A_114 = arith.minsi %max3A_111, %min3A_113 : vector<16xi32>
    %sub3A_115 = arith.constant 1 : i32
    %sub3A_116 = vector.broadcast %sub3A_115 : i32 to vector<16xi32>
    %sub3A_117 = arith.subi %min3A_114, %sub3A_116 : vector<16xi32>
    %mul3A_118 = arith.constant 1000 : i32
    %mul3A_119 = vector.broadcast %mul3A_118 : i32 to vector<16xi32>
    %mul3A_120 = arith.muli %sub3A_117, %mul3A_119 : vector<16xi32>
    %get3A_121 = arith.constant 64 : index
    %get3A_122 = tpu.vector_load %arg6[%get3A_121] {strides = array<i32>} : memref<512xi32, #tpu.memory_space<vmem>>, vector<16xi32>,
    %get3A_123 = vector.shape_cast %get3A_122 : vector<16xi32> to vector<16xi32>
    %add3A_124 = arith.addi %mul3A_120, %get3A_123 : vector<16xi32>
    %swap3A_125 = arith.constant 64 : index
    %swap3A_126 = tpu.vector_load %arg8[%swap3A_125] {strides = array<i32>} : memref<512xi32, #tpu.memory_space<vmem>>, vector<16xi32>,
    %swap3A_127 = vector.shape_cast %swap3A_126 : vector<16xi32> to vector<16xi32>
    %swap3A_128 = vector.shape_cast %add3A_124 : vector<16xi32> to vector<16xi32>
    tpu.vector_store %arg8[%swap3A_125], %swap3A_128 {strides = array<i32>} : memref<512xi32, #tpu.memory_space<vmem>>, vector<16xi32>,
    %get3A_129 = arith.constant 80 : index
    %get3A_130 = tpu.vector_load %arg7[%get3A_129] {strides = array<i32>} : memref<512xi32, #tpu.memory_space<vmem>>, vector<16xi32>,
    %get3A_131 = vector.shape_cast %get3A_130 : vector<16xi32> to vector<16xi32>
    %max3A_132 = arith.constant 1 : i32
    %max3A_133 = vector.broadcast %max3A_132 : i32 to vector<16xi32>
    %max3A_134 = arith.maxsi %get3A_131, %max3A_133 : vector<16xi32>
    %min3A_135 = arith.constant 510 : i32
    %min3A_136 = vector.broadcast %min3A_135 : i32 to vector<16xi32>
    %min3A_137 = arith.minsi %max3A_134, %min3A_136 : vector<16xi32>
    %sub3A_138 = arith.constant 1 : i32
    %sub3A_139 = vector.broadcast %sub3A_138 : i32 to vector<16xi32>
    %sub3A_140 = arith.subi %min3A_137, %sub3A_139 : vector<16xi32>
    %mul3A_141 = arith.constant 1000 : i32
    %mul3A_142 = vector.broadcast %mul3A_141 : i32 to vector<16xi32>
    %mul3A_143 = arith.muli %sub3A_140, %mul3A_142 : vector<16xi32>
    %get3A_144 = arith.constant 80 : index
    %get3A_145 = tpu.vector_load %arg6[%get3A_144] {strides = array<i32>} : memref<512xi32, #tpu.memory_space<vmem>>, vector<16xi32>,
    %get3A_146 = vector.shape_cast %get3A_145 : vector<16xi32> to vector<16xi32>
    %add3A_147 = arith.addi %mul3A_143, %get3A_146 : vector<16xi32>
    %swap3A_148 = arith.constant 80 : index
    %swap3A_149 = tpu.vector_load %arg8[%swap3A_148] {strides = array<i32>} : memref<512xi32, #tpu.memory_space<vmem>>, vector<16xi32>,
    %swap3A_150 = vector.shape_cast %swap3A_149 : vector<16xi32> to vector<16xi32>
    %swap3A_151 = vector.shape_cast %add3A_147 : vector<16xi32> to vector<16xi32>
    tpu.vector_store %arg8[%swap3A_148], %swap3A_151 {strides = array<i32>} : memref<512xi32, #tpu.memory_space<vmem>>, vector<16xi32>,
    %dma_start3A_152 = arith.constant 64 : i32
    %dma_start3A_153 = tpu.memref_slice %arg8[%dma_start3A_152] : memref<512xi32, #tpu.memory_space<vmem>> -> memref<32xi32, #tpu.memory_space<vmem>>
    %dma_start3A_154 = arith.constant 0 : i32
    %dma_start3A_155 = arith.constant 0 : i32
    %dma_start3A_156 = tpu.memref_slice %arg2[%dma_start3A_154, %dma_start3A_155] : memref<510000x256xf32, #tpu.memory_space<hbm>> -> memref<510000x256xf32, #tpu.memory_space<hbm>>
    tpu.enqueue_indirect_dma source(%dma_start3A_156 : memref<510000x256xf32, #tpu.memory_space<hbm>>) target(%arg11 : memref<32x256xf32, #tpu.memory_space<vmem>>) offsets(%dma_start3A_153 : memref<32xi32, #tpu.memory_space<vmem>>) semaphore(%arg23 : memref<!tpu.dma_semaphore, #tpu.memory_space<semaphore_mem>>)
    %get3A_157 = arith.constant 96 : index
    %get3A_158 = tpu.vector_load %arg7[%get3A_157] {strides = array<i32>} : memref<512xi32, #tpu.memory_space<vmem>>, vector<16xi32>,
    %get3A_159 = vector.shape_cast %get3A_158 : vector<16xi32> to vector<16xi32>
    %max3A_160 = arith.constant 1 : i32
    %max3A_161 = vector.broadcast %max3A_160 : i32 to vector<16xi32>
    %max3A_162 = arith.maxsi %get3A_159, %max3A_161 : vector<16xi32>
    %min3A_163 = arith.constant 510 : i32
    %min3A_164 = vector.broadcast %min3A_163 : i32 to vector<16xi32>
    %min3A_165 = arith.minsi %max3A_162, %min3A_164 : vector<16xi32>
    %sub3A_166 = arith.constant 1 : i32
    %sub3A_167 = vector.broadcast %sub3A_166 : i32 to vector<16xi32>
    %sub3A_168 = arith.subi %min3A_165, %sub3A_167 : vector<16xi32>
    %mul3A_169 = arith.constant 1000 : i32
    %mul3A_170 = vector.broadcast %mul3A_169 : i32 to vector<16xi32>
    %mul3A_171 = arith.muli %sub3A_168, %mul3A_170 : vector<16xi32>
    %get3A_172 = arith.constant 96 : index
    %get3A_173 = tpu.vector_load %arg6[%get3A_172] {strides = array<i32>} : memref<512xi32, #tpu.memory_space<vmem>>, vector<16xi32>,
    %get3A_174 = vector.shape_cast %get3A_173 : vector<16xi32> to vector<16xi32>
    %add3A_175 = arith.addi %mul3A_171, %get3A_174 : vector<16xi32>
    %swap3A_176 = arith.constant 96 : index
    %swap3A_177 = tpu.vector_load %arg8[%swap3A_176] {strides = array<i32>} : memref<512xi32, #tpu.memory_space<vmem>>, vector<16xi32>,
    %swap3A_178 = vector.shape_cast %swap3A_177 : vector<16xi32> to vector<16xi32>
    %swap3A_179 = vector.shape_cast %add3A_175 : vector<16xi32> to vector<16xi32>
    tpu.vector_store %arg8[%swap3A_176], %swap3A_179 {strides = array<i32>} : memref<512xi32, #tpu.memory_space<vmem>>, vector<16xi32>,
    %get3A_180 = arith.constant 112 : index
    %get3A_181 = tpu.vector_load %arg7[%get3A_180] {strides = array<i32>} : memref<512xi32, #tpu.memory_space<vmem>>, vector<16xi32>,
    %get3A_182 = vector.shape_cast %get3A_181 : vector<16xi32> to vector<16xi32>
    %max3A_183 = arith.constant 1 : i32
    %max3A_184 = vector.broadcast %max3A_183 : i32 to vector<16xi32>
    %max3A_185 = arith.maxsi %get3A_182, %max3A_184 : vector<16xi32>
    %min3A_186 = arith.constant 510 : i32
    %min3A_187 = vector.broadcast %min3A_186 : i32 to vector<16xi32>
    %min3A_188 = arith.minsi %max3A_185, %min3A_187 : vector<16xi32>
    %sub3A_189 = arith.constant 1 : i32
    %sub3A_190 = vector.broadcast %sub3A_189 : i32 to vector<16xi32>
    %sub3A_191 = arith.subi %min3A_188, %sub3A_190 : vector<16xi32>
    %mul3A_192 = arith.constant 1000 : i32
    %mul3A_193 = vector.broadcast %mul3A_192 : i32 to vector<16xi32>
    %mul3A_194 = arith.muli %sub3A_191, %mul3A_193 : vector<16xi32>
    %get3A_195 = arith.constant 112 : index
    %get3A_196 = tpu.vector_load %arg6[%get3A_195] {strides = array<i32>} : memref<512xi32, #tpu.memory_space<vmem>>, vector<16xi32>,
    %get3A_197 = vector.shape_cast %get3A_196 : vector<16xi32> to vector<16xi32>
    %add3A_198 = arith.addi %mul3A_194, %get3A_197 : vector<16xi32>
    %swap3A_199 = arith.constant 112 : index
    %swap3A_200 = tpu.vector_load %arg8[%swap3A_199] {strides = array<i32>} : memref<512xi32, #tpu.memory_space<vmem>>, vector<16xi32>,
    %swap3A_201 = vector.shape_cast %swap3A_200 : vector<16xi32> to vector<16xi32>
    %swap3A_202 = vector.shape_cast %add3A_198 : vector<16xi32> to vector<16xi32>
    tpu.vector_store %arg8[%swap3A_199], %swap3A_202 {strides = array<i32>} : memref<512xi32, #tpu.memory_space<vmem>>, vector<16xi32>,
    %dma_start3A_203 = arith.constant 96 : i32
    %dma_start3A_204 = tpu.memref_slice %arg8[%dma_start3A_203] : memref<512xi32, #tpu.memory_space<vmem>> -> memref<32xi32, #tpu.memory_space<vmem>>
    %dma_start3A_205 = arith.constant 0 : i32
    %dma_start3A_206 = arith.constant 0 : i32
    %dma_start3A_207 = tpu.memref_slice %arg2[%dma_start3A_205, %dma_start3A_206] : memref<510000x256xf32, #tpu.memory_space<hbm>> -> memref<510000x256xf32, #tpu.memory_space<hbm>>
    tpu.enqueue_indirect_dma source(%dma_start3A_207 : memref<510000x256xf32, #tpu.memory_space<hbm>>) target(%arg12 : memref<32x256xf32, #tpu.memory_space<vmem>>) offsets(%dma_start3A_204 : memref<32xi32, #tpu.memory_space<vmem>>) semaphore(%arg24 : memref<!tpu.dma_semaphore, #tpu.memory_space<semaphore_mem>>)
    %get3A_208 = arith.constant 128 : index
    %get3A_209 = tpu.vector_load %arg7[%get3A_208] {strides = array<i32>} : memref<512xi32, #tpu.memory_space<vmem>>, vector<16xi32>,
    %get3A_210 = vector.shape_cast %get3A_209 : vector<16xi32> to vector<16xi32>
    %max3A_211 = arith.constant 1 : i32
    %max3A_212 = vector.broadcast %max3A_211 : i32 to vector<16xi32>
    %max3A_213 = arith.maxsi %get3A_210, %max3A_212 : vector<16xi32>
    %min3A_214 = arith.constant 510 : i32
    %min3A_215 = vector.broadcast %min3A_214 : i32 to vector<16xi32>
    %min3A_216 = arith.minsi %max3A_213, %min3A_215 : vector<16xi32>
    %sub3A_217 = arith.constant 1 : i32
    %sub3A_218 = vector.broadcast %sub3A_217 : i32 to vector<16xi32>
    %sub3A_219 = arith.subi %min3A_216, %sub3A_218 : vector<16xi32>
    %mul3A_220 = arith.constant 1000 : i32
    %mul3A_221 = vector.broadcast %mul3A_220 : i32 to vector<16xi32>
    %mul3A_222 = arith.muli %sub3A_219, %mul3A_221 : vector<16xi32>
    %get3A_223 = arith.constant 128 : index
    %get3A_224 = tpu.vector_load %arg6[%get3A_223] {strides = array<i32>} : memref<512xi32, #tpu.memory_space<vmem>>, vector<16xi32>,
    %get3A_225 = vector.shape_cast %get3A_224 : vector<16xi32> to vector<16xi32>
    %add3A_226 = arith.addi %mul3A_222, %get3A_225 : vector<16xi32>
    %swap3A_227 = arith.constant 128 : index
    %swap3A_228 = tpu.vector_load %arg8[%swap3A_227] {strides = array<i32>} : memref<512xi32, #tpu.memory_space<vmem>>, vector<16xi32>,
    %swap3A_229 = vector.shape_cast %swap3A_228 : vector<16xi32> to vector<16xi32>
    %swap3A_230 = vector.shape_cast %add3A_226 : vector<16xi32> to vector<16xi32>
    tpu.vector_store %arg8[%swap3A_227], %swap3A_230 {strides = array<i32>} : memref<512xi32, #tpu.memory_space<vmem>>, vector<16xi32>,
    %get3A_231 = arith.constant 144 : index
    %get3A_232 = tpu.vector_load %arg7[%get3A_231] {strides = array<i32>} : memref<512xi32, #tpu.memory_space<vmem>>, vector<16xi32>,
    %get3A_233 = vector.shape_cast %get3A_232 : vector<16xi32> to vector<16xi32>
    %max3A_234 = arith.constant 1 : i32
    %max3A_235 = vector.broadcast %max3A_234 : i32 to vector<16xi32>
    %max3A_236 = arith.maxsi %get3A_233, %max3A_235 : vector<16xi32>
    %min3A_237 = arith.constant 510 : i32
    %min3A_238 = vector.broadcast %min3A_237 : i32 to vector<16xi32>
    %min3A_239 = arith.minsi %max3A_236, %min3A_238 : vector<16xi32>
    %sub3A_240 = arith.constant 1 : i32
    %sub3A_241 = vector.broadcast %sub3A_240 : i32 to vector<16xi32>
    %sub3A_242 = arith.subi %min3A_239, %sub3A_241 : vector<16xi32>
    %mul3A_243 = arith.constant 1000 : i32
    %mul3A_244 = vector.broadcast %mul3A_243 : i32 to vector<16xi32>
    %mul3A_245 = arith.muli %sub3A_242, %mul3A_244 : vector<16xi32>
    %get3A_246 = arith.constant 144 : index
    %get3A_247 = tpu.vector_load %arg6[%get3A_246] {strides = array<i32>} : memref<512xi32, #tpu.memory_space<vmem>>, vector<16xi32>,
    %get3A_248 = vector.shape_cast %get3A_247 : vector<16xi32> to vector<16xi32>
    %add3A_249 = arith.addi %mul3A_245, %get3A_248 : vector<16xi32>
    %swap3A_250 = arith.constant 144 : index
    %swap3A_251 = tpu.vector_load %arg8[%swap3A_250] {strides = array<i32>} : memref<512xi32, #tpu.memory_space<vmem>>, vector<16xi32>,
    %swap3A_252 = vector.shape_cast %swap3A_251 : vector<16xi32> to vector<16xi32>
    %swap3A_253 = vector.shape_cast %add3A_249 : vector<16xi32> to vector<16xi32>
    tpu.vector_store %arg8[%swap3A_250], %swap3A_253 {strides = array<i32>} : memref<512xi32, #tpu.memory_space<vmem>>, vector<16xi32>,
    %dma_start3A_254 = arith.constant 128 : i32
    %dma_start3A_255 = tpu.memref_slice %arg8[%dma_start3A_254] : memref<512xi32, #tpu.memory_space<vmem>> -> memref<32xi32, #tpu.memory_space<vmem>>
    %dma_start3A_256 = arith.constant 0 : i32
    %dma_start3A_257 = arith.constant 0 : i32
    %dma_start3A_258 = tpu.memref_slice %arg2[%dma_start3A_256, %dma_start3A_257] : memref<510000x256xf32, #tpu.memory_space<hbm>> -> memref<510000x256xf32, #tpu.memory_space<hbm>>
    tpu.enqueue_indirect_dma source(%dma_start3A_258 : memref<510000x256xf32, #tpu.memory_space<hbm>>) target(%arg13 : memref<32x256xf32, #tpu.memory_space<vmem>>) offsets(%dma_start3A_255 : memref<32xi32, #tpu.memory_space<vmem>>) semaphore(%arg25 : memref<!tpu.dma_semaphore, #tpu.memory_space<semaphore_mem>>)
    %get3A_259 = arith.constant 160 : index
    %get3A_260 = tpu.vector_load %arg7[%get3A_259] {strides = array<i32>} : memref<512xi32, #tpu.memory_space<vmem>>, vector<16xi32>,
    %get3A_261 = vector.shape_cast %get3A_260 : vector<16xi32> to vector<16xi32>
    %max3A_262 = arith.constant 1 : i32
    %max3A_263 = vector.broadcast %max3A_262 : i32 to vector<16xi32>
    %max3A_264 = arith.maxsi %get3A_261, %max3A_263 : vector<16xi32>
    %min3A_265 = arith.constant 510 : i32
    %min3A_266 = vector.broadcast %min3A_265 : i32 to vector<16xi32>
    %min3A_267 = arith.minsi %max3A_264, %min3A_266 : vector<16xi32>
    %sub3A_268 = arith.constant 1 : i32
    %sub3A_269 = vector.broadcast %sub3A_268 : i32 to vector<16xi32>
    %sub3A_270 = arith.subi %min3A_267, %sub3A_269 : vector<16xi32>
    %mul3A_271 = arith.constant 1000 : i32
    %mul3A_272 = vector.broadcast %mul3A_271 : i32 to vector<16xi32>
    %mul3A_273 = arith.muli %sub3A_270, %mul3A_272 : vector<16xi32>
    %get3A_274 = arith.constant 160 : index
    %get3A_275 = tpu.vector_load %arg6[%get3A_274] {strides = array<i32>} : memref<512xi32, #tpu.memory_space<vmem>>, vector<16xi32>,
    %get3A_276 = vector.shape_cast %get3A_275 : vector<16xi32> to vector<16xi32>
    %add3A_277 = arith.addi %mul3A_273, %get3A_276 : vector<16xi32>
    %swap3A_278 = arith.constant 160 : index
    %swap3A_279 = tpu.vector_load %arg8[%swap3A_278] {strides = array<i32>} : memref<512xi32, #tpu.memory_space<vmem>>, vector<16xi32>,
    %swap3A_280 = vector.shape_cast %swap3A_279 : vector<16xi32> to vector<16xi32>
    %swap3A_281 = vector.shape_cast %add3A_277 : vector<16xi32> to vector<16xi32>
    tpu.vector_store %arg8[%swap3A_278], %swap3A_281 {strides = array<i32>} : memref<512xi32, #tpu.memory_space<vmem>>, vector<16xi32>,
    %get3A_282 = arith.constant 176 : index
    %get3A_283 = tpu.vector_load %arg7[%get3A_282] {strides = array<i32>} : memref<512xi32, #tpu.memory_space<vmem>>, vector<16xi32>,
    %get3A_284 = vector.shape_cast %get3A_283 : vector<16xi32> to vector<16xi32>
    %max3A_285 = arith.constant 1 : i32
    %max3A_286 = vector.broadcast %max3A_285 : i32 to vector<16xi32>
    %max3A_287 = arith.maxsi %get3A_284, %max3A_286 : vector<16xi32>
    %min3A_288 = arith.constant 510 : i32
    %min3A_289 = vector.broadcast %min3A_288 : i32 to vector<16xi32>
    %min3A_290 = arith.minsi %max3A_287, %min3A_289 : vector<16xi32>
    %sub3A_291 = arith.constant 1 : i32
    %sub3A_292 = vector.broadcast %sub3A_291 : i32 to vector<16xi32>
    %sub3A_293 = arith.subi %min3A_290, %sub3A_292 : vector<16xi32>
    %mul3A_294 = arith.constant 1000 : i32
    %mul3A_295 = vector.broadcast %mul3A_294 : i32 to vector<16xi32>
    %mul3A_296 = arith.muli %sub3A_293, %mul3A_295 : vector<16xi32>
    %get3A_297 = arith.constant 176 : index
    %get3A_298 = tpu.vector_load %arg6[%get3A_297] {strides = array<i32>} : memref<512xi32, #tpu.memory_space<vmem>>, vector<16xi32>,
    %get3A_299 = vector.shape_cast %get3A_298 : vector<16xi32> to vector<16xi32>
    %add3A_300 = arith.addi %mul3A_296, %get3A_299 : vector<16xi32>
    %swap3A_301 = arith.constant 176 : index
    %swap3A_302 = tpu.vector_load %arg8[%swap3A_301] {strides = array<i32>} : memref<512xi32, #tpu.memory_space<vmem>>, vector<16xi32>,
    %swap3A_303 = vector.shape_cast %swap3A_302 : vector<16xi32> to vector<16xi32>
    %swap3A_304 = vector.shape_cast %add3A_300 : vector<16xi32> to vector<16xi32>
    tpu.vector_store %arg8[%swap3A_301], %swap3A_304 {strides = array<i32>} : memref<512xi32, #tpu.memory_space<vmem>>, vector<16xi32>,
    %dma_start3A_305 = arith.constant 160 : i32
    %dma_start3A_306 = tpu.memref_slice %arg8[%dma_start3A_305] : memref<512xi32, #tpu.memory_space<vmem>> -> memref<32xi32, #tpu.memory_space<vmem>>
    %dma_start3A_307 = arith.constant 0 : i32
    %dma_start3A_308 = arith.constant 0 : i32
    %dma_start3A_309 = tpu.memref_slice %arg2[%dma_start3A_307, %dma_start3A_308] : memref<510000x256xf32, #tpu.memory_space<hbm>> -> memref<510000x256xf32, #tpu.memory_space<hbm>>
    tpu.enqueue_indirect_dma source(%dma_start3A_309 : memref<510000x256xf32, #tpu.memory_space<hbm>>) target(%arg14 : memref<32x256xf32, #tpu.memory_space<vmem>>) offsets(%dma_start3A_306 : memref<32xi32, #tpu.memory_space<vmem>>) semaphore(%arg26 : memref<!tpu.dma_semaphore, #tpu.memory_space<semaphore_mem>>)
    %get3A_310 = arith.constant 192 : index
    %get3A_311 = tpu.vector_load %arg7[%get3A_310] {strides = array<i32>} : memref<512xi32, #tpu.memory_space<vmem>>, vector<16xi32>,
    %get3A_312 = vector.shape_cast %get3A_311 : vector<16xi32> to vector<16xi32>
    %max3A_313 = arith.constant 1 : i32
    %max3A_314 = vector.broadcast %max3A_313 : i32 to vector<16xi32>
    %max3A_315 = arith.maxsi %get3A_312, %max3A_314 : vector<16xi32>
    %min3A_316 = arith.constant 510 : i32
    %min3A_317 = vector.broadcast %min3A_316 : i32 to vector<16xi32>
    %min3A_318 = arith.minsi %max3A_315, %min3A_317 : vector<16xi32>
    %sub3A_319 = arith.constant 1 : i32
    %sub3A_320 = vector.broadcast %sub3A_319 : i32 to vector<16xi32>
    %sub3A_321 = arith.subi %min3A_318, %sub3A_320 : vector<16xi32>
    %mul3A_322 = arith.constant 1000 : i32
    %mul3A_323 = vector.broadcast %mul3A_322 : i32 to vector<16xi32>
    %mul3A_324 = arith.muli %sub3A_321, %mul3A_323 : vector<16xi32>
    %get3A_325 = arith.constant 192 : index
    %get3A_326 = tpu.vector_load %arg6[%get3A_325] {strides = array<i32>} : memref<512xi32, #tpu.memory_space<vmem>>, vector<16xi32>,
    %get3A_327 = vector.shape_cast %get3A_326 : vector<16xi32> to vector<16xi32>
    %add3A_328 = arith.addi %mul3A_324, %get3A_327 : vector<16xi32>
    %swap3A_329 = arith.constant 192 : index
    %swap3A_330 = tpu.vector_load %arg8[%swap3A_329] {strides = array<i32>} : memref<512xi32, #tpu.memory_space<vmem>>, vector<16xi32>,
    %swap3A_331 = vector.shape_cast %swap3A_330 : vector<16xi32> to vector<16xi32>
    %swap3A_332 = vector.shape_cast %add3A_328 : vector<16xi32> to vector<16xi32>
    tpu.vector_store %arg8[%swap3A_329], %swap3A_332 {strides = array<i32>} : memref<512xi32, #tpu.memory_space<vmem>>, vector<16xi32>,
    %get3A_333 = arith.constant 208 : index
    %get3A_334 = tpu.vector_load %arg7[%get3A_333] {strides = array<i32>} : memref<512xi32, #tpu.memory_space<vmem>>, vector<16xi32>,
    %get3A_335 = vector.shape_cast %get3A_334 : vector<16xi32> to vector<16xi32>
    %max3A_336 = arith.constant 1 : i32
    %max3A_337 = vector.broadcast %max3A_336 : i32 to vector<16xi32>
    %max3A_338 = arith.maxsi %get3A_335, %max3A_337 : vector<16xi32>
    %min3A_339 = arith.constant 510 : i32
    %min3A_340 = vector.broadcast %min3A_339 : i32 to vector<16xi32>
    %min3A_341 = arith.minsi %max3A_338, %min3A_340 : vector<16xi32>
    %sub3A_342 = arith.constant 1 : i32
    %sub3A_343 = vector.broadcast %sub3A_342 : i32 to vector<16xi32>
    %sub3A_344 = arith.subi %min3A_341, %sub3A_343 : vector<16xi32>
    %mul3A_345 = arith.constant 1000 : i32
    %mul3A_346 = vector.broadcast %mul3A_345 : i32 to vector<16xi32>
    %mul3A_347 = arith.muli %sub3A_344, %mul3A_346 : vector<16xi32>
    %get3A_348 = arith.constant 208 : index
    %get3A_349 = tpu.vector_load %arg6[%get3A_348] {strides = array<i32>} : memref<512xi32, #tpu.memory_space<vmem>>, vector<16xi32>,
    %get3A_350 = vector.shape_cast %get3A_349 : vector<16xi32> to vector<16xi32>
    %add3A_351 = arith.addi %mul3A_347, %get3A_350 : vector<16xi32>
    %swap3A_352 = arith.constant 208 : index
    %swap3A_353 = tpu.vector_load %arg8[%swap3A_352] {strides = array<i32>} : memref<512xi32, #tpu.memory_space<vmem>>, vector<16xi32>,
    %swap3A_354 = vector.shape_cast %swap3A_353 : vector<16xi32> to vector<16xi32>
    %swap3A_355 = vector.shape_cast %add3A_351 : vector<16xi32> to vector<16xi32>
    tpu.vector_store %arg8[%swap3A_352], %swap3A_355 {strides = array<i32>} : memref<512xi32, #tpu.memory_space<vmem>>, vector<16xi32>,
    %dma_start3A_356 = arith.constant 192 : i32
    %dma_start3A_357 = tpu.memref_slice %arg8[%dma_start3A_356] : memref<512xi32, #tpu.memory_space<vmem>> -> memref<32xi32, #tpu.memory_space<vmem>>
    %dma_start3A_358 = arith.constant 0 : i32
    %dma_start3A_359 = arith.constant 0 : i32
    %dma_start3A_360 = tpu.memref_slice %arg2[%dma_start3A_358, %dma_start3A_359] : memref<510000x256xf32, #tpu.memory_space<hbm>> -> memref<510000x256xf32, #tpu.memory_space<hbm>>
    tpu.enqueue_indirect_dma source(%dma_start3A_360 : memref<510000x256xf32, #tpu.memory_space<hbm>>) target(%arg15 : memref<32x256xf32, #tpu.memory_space<vmem>>) offsets(%dma_start3A_357 : memref<32xi32, #tpu.memory_space<vmem>>) semaphore(%arg27 : memref<!tpu.dma_semaphore, #tpu.memory_space<semaphore_mem>>)
    %get3A_361 = arith.constant 224 : index
    %get3A_362 = tpu.vector_load %arg7[%get3A_361] {strides = array<i32>} : memref<512xi32, #tpu.memory_space<vmem>>, vector<16xi32>,
    %get3A_363 = vector.shape_cast %get3A_362 : vector<16xi32> to vector<16xi32>
    %max3A_364 = arith.constant 1 : i32
    %max3A_365 = vector.broadcast %max3A_364 : i32 to vector<16xi32>
    %max3A_366 = arith.maxsi %get3A_363, %max3A_365 : vector<16xi32>
    %min3A_367 = arith.constant 510 : i32
    %min3A_368 = vector.broadcast %min3A_367 : i32 to vector<16xi32>
    %min3A_369 = arith.minsi %max3A_366, %min3A_368 : vector<16xi32>
    %sub3A_370 = arith.constant 1 : i32
    %sub3A_371 = vector.broadcast %sub3A_370 : i32 to vector<16xi32>
    %sub3A_372 = arith.subi %min3A_369, %sub3A_371 : vector<16xi32>
    %mul3A_373 = arith.constant 1000 : i32
    %mul3A_374 = vector.broadcast %mul3A_373 : i32 to vector<16xi32>
    %mul3A_375 = arith.muli %sub3A_372, %mul3A_374 : vector<16xi32>
    %get3A_376 = arith.constant 224 : index
    %get3A_377 = tpu.vector_load %arg6[%get3A_376] {strides = array<i32>} : memref<512xi32, #tpu.memory_space<vmem>>, vector<16xi32>,
    %get3A_378 = vector.shape_cast %get3A_377 : vector<16xi32> to vector<16xi32>
    %add3A_379 = arith.addi %mul3A_375, %get3A_378 : vector<16xi32>
    %swap3A_380 = arith.constant 224 : index
    %swap3A_381 = tpu.vector_load %arg8[%swap3A_380] {strides = array<i32>} : memref<512xi32, #tpu.memory_space<vmem>>, vector<16xi32>,
    %swap3A_382 = vector.shape_cast %swap3A_381 : vector<16xi32> to vector<16xi32>
    %swap3A_383 = vector.shape_cast %add3A_379 : vector<16xi32> to vector<16xi32>
    tpu.vector_store %arg8[%swap3A_380], %swap3A_383 {strides = array<i32>} : memref<512xi32, #tpu.memory_space<vmem>>, vector<16xi32>,
    %get3A_384 = arith.constant 240 : index
    %get3A_385 = tpu.vector_load %arg7[%get3A_384] {strides = array<i32>} : memref<512xi32, #tpu.memory_space<vmem>>, vector<16xi32>,
    %get3A_386 = vector.shape_cast %get3A_385 : vector<16xi32> to vector<16xi32>
    %max3A_387 = arith.constant 1 : i32
    %max3A_388 = vector.broadcast %max3A_387 : i32 to vector<16xi32>
    %max3A_389 = arith.maxsi %get3A_386, %max3A_388 : vector<16xi32>
    %min3A_390 = arith.constant 510 : i32
    %min3A_391 = vector.broadcast %min3A_390 : i32 to vector<16xi32>
    %min3A_392 = arith.minsi %max3A_389, %min3A_391 : vector<16xi32>
    %sub3A_393 = arith.constant 1 : i32
    %sub3A_394 = vector.broadcast %sub3A_393 : i32 to vector<16xi32>
    %sub3A_395 = arith.subi %min3A_392, %sub3A_394 : vector<16xi32>
    %mul3A_396 = arith.constant 1000 : i32
    %mul3A_397 = vector.broadcast %mul3A_396 : i32 to vector<16xi32>
    %mul3A_398 = arith.muli %sub3A_395, %mul3A_397 : vector<16xi32>
    %get3A_399 = arith.constant 240 : index
    %get3A_400 = tpu.vector_load %arg6[%get3A_399] {strides = array<i32>} : memref<512xi32, #tpu.memory_space<vmem>>, vector<16xi32>,
    %get3A_401 = vector.shape_cast %get3A_400 : vector<16xi32> to vector<16xi32>
    %add3A_402 = arith.addi %mul3A_398, %get3A_401 : vector<16xi32>
    %swap3A_403 = arith.constant 240 : index
    %swap3A_404 = tpu.vector_load %arg8[%swap3A_403] {strides = array<i32>} : memref<512xi32, #tpu.memory_space<vmem>>, vector<16xi32>,
    %swap3A_405 = vector.shape_cast %swap3A_404 : vector<16xi32> to vector<16xi32>
    %swap3A_406 = vector.shape_cast %add3A_402 : vector<16xi32> to vector<16xi32>
    tpu.vector_store %arg8[%swap3A_403], %swap3A_406 {strides = array<i32>} : memref<512xi32, #tpu.memory_space<vmem>>, vector<16xi32>,
    %dma_start3A_407 = arith.constant 224 : i32
    %dma_start3A_408 = tpu.memref_slice %arg8[%dma_start3A_407] : memref<512xi32, #tpu.memory_space<vmem>> -> memref<32xi32, #tpu.memory_space<vmem>>
    %dma_start3A_409 = arith.constant 0 : i32
    %dma_start3A_410 = arith.constant 0 : i32
    %dma_start3A_411 = tpu.memref_slice %arg2[%dma_start3A_409, %dma_start3A_410] : memref<510000x256xf32, #tpu.memory_space<hbm>> -> memref<510000x256xf32, #tpu.memory_space<hbm>>
    tpu.enqueue_indirect_dma source(%dma_start3A_411 : memref<510000x256xf32, #tpu.memory_space<hbm>>) target(%arg16 : memref<32x256xf32, #tpu.memory_space<vmem>>) offsets(%dma_start3A_408 : memref<32xi32, #tpu.memory_space<vmem>>) semaphore(%arg28 : memref<!tpu.dma_semaphore, #tpu.memory_space<semaphore_mem>>)
    %get3A_412 = arith.constant 256 : index
    %get3A_413 = tpu.vector_load %arg7[%get3A_412] {strides = array<i32>} : memref<512xi32, #tpu.memory_space<vmem>>, vector<16xi32>,
    %get3A_414 = vector.shape_cast %get3A_413 : vector<16xi32> to vector<16xi32>
    %max3A_415 = arith.constant 1 : i32
    %max3A_416 = vector.broadcast %max3A_415 : i32 to vector<16xi32>
    %max3A_417 = arith.maxsi %get3A_414, %max3A_416 : vector<16xi32>
    %min3A_418 = arith.constant 510 : i32
    %min3A_419 = vector.broadcast %min3A_418 : i32 to vector<16xi32>
    %min3A_420 = arith.minsi %max3A_417, %min3A_419 : vector<16xi32>
    %sub3A_421 = arith.constant 1 : i32
    %sub3A_422 = vector.broadcast %sub3A_421 : i32 to vector<16xi32>
    %sub3A_423 = arith.subi %min3A_420, %sub3A_422 : vector<16xi32>
    %mul3A_424 = arith.constant 1000 : i32
    %mul3A_425 = vector.broadcast %mul3A_424 : i32 to vector<16xi32>
    %mul3A_426 = arith.muli %sub3A_423, %mul3A_425 : vector<16xi32>
    %get3A_427 = arith.constant 256 : index
    %get3A_428 = tpu.vector_load %arg6[%get3A_427] {strides = array<i32>} : memref<512xi32, #tpu.memory_space<vmem>>, vector<16xi32>,
    %get3A_429 = vector.shape_cast %get3A_428 : vector<16xi32> to vector<16xi32>
    %add3A_430 = arith.addi %mul3A_426, %get3A_429 : vector<16xi32>
    %swap3A_431 = arith.constant 256 : index
    %swap3A_432 = tpu.vector_load %arg8[%swap3A_431] {strides = array<i32>} : memref<512xi32, #tpu.memory_space<vmem>>, vector<16xi32>,
    %swap3A_433 = vector.shape_cast %swap3A_432 : vector<16xi32> to vector<16xi32>
    %swap3A_434 = vector.shape_cast %add3A_430 : vector<16xi32> to vector<16xi32>
    tpu.vector_store %arg8[%swap3A_431], %swap3A_434 {strides = array<i32>} : memref<512xi32, #tpu.memory_space<vmem>>, vector<16xi32>,
    %get3A_435 = arith.constant 272 : index
    %get3A_436 = tpu.vector_load %arg7[%get3A_435] {strides = array<i32>} : memref<512xi32, #tpu.memory_space<vmem>>, vector<16xi32>,
    %get3A_437 = vector.shape_cast %get3A_436 : vector<16xi32> to vector<16xi32>
    %max3A_438 = arith.constant 1 : i32
    %max3A_439 = vector.broadcast %max3A_438 : i32 to vector<16xi32>
    %max3A_440 = arith.maxsi %get3A_437, %max3A_439 : vector<16xi32>
    %min3A_441 = arith.constant 510 : i32
    %min3A_442 = vector.broadcast %min3A_441 : i32 to vector<16xi32>
    %min3A_443 = arith.minsi %max3A_440, %min3A_442 : vector<16xi32>
    %sub3A_444 = arith.constant 1 : i32
    %sub3A_445 = vector.broadcast %sub3A_444 : i32 to vector<16xi32>
    %sub3A_446 = arith.subi %min3A_443, %sub3A_445 : vector<16xi32>
    %mul3A_447 = arith.constant 1000 : i32
    %mul3A_448 = vector.broadcast %mul3A_447 : i32 to vector<16xi32>
    %mul3A_449 = arith.muli %sub3A_446, %mul3A_448 : vector<16xi32>
    %get3A_450 = arith.constant 272 : index
    %get3A_451 = tpu.vector_load %arg6[%get3A_450] {strides = array<i32>} : memref<512xi32, #tpu.memory_space<vmem>>, vector<16xi32>,
    %get3A_452 = vector.shape_cast %get3A_451 : vector<16xi32> to vector<16xi32>
    %add3A_453 = arith.addi %mul3A_449, %get3A_452 : vector<16xi32>
    %swap3A_454 = arith.constant 272 : index
    %swap3A_455 = tpu.vector_load %arg8[%swap3A_454] {strides = array<i32>} : memref<512xi32, #tpu.memory_space<vmem>>, vector<16xi32>,
    %swap3A_456 = vector.shape_cast %swap3A_455 : vector<16xi32> to vector<16xi32>
    %swap3A_457 = vector.shape_cast %add3A_453 : vector<16xi32> to vector<16xi32>
    tpu.vector_store %arg8[%swap3A_454], %swap3A_457 {strides = array<i32>} : memref<512xi32, #tpu.memory_space<vmem>>, vector<16xi32>,
    %dma_start3A_458 = arith.constant 256 : i32
    %dma_start3A_459 = tpu.memref_slice %arg8[%dma_start3A_458] : memref<512xi32, #tpu.memory_space<vmem>> -> memref<32xi32, #tpu.memory_space<vmem>>
    %dma_start3A_460 = arith.constant 0 : i32
    %dma_start3A_461 = arith.constant 0 : i32
    %dma_start3A_462 = tpu.memref_slice %arg2[%dma_start3A_460, %dma_start3A_461] : memref<510000x256xf32, #tpu.memory_space<hbm>> -> memref<510000x256xf32, #tpu.memory_space<hbm>>
    tpu.enqueue_indirect_dma source(%dma_start3A_462 : memref<510000x256xf32, #tpu.memory_space<hbm>>) target(%arg17 : memref<32x256xf32, #tpu.memory_space<vmem>>) offsets(%dma_start3A_459 : memref<32xi32, #tpu.memory_space<vmem>>) semaphore(%arg29 : memref<!tpu.dma_semaphore, #tpu.memory_space<semaphore_mem>>)
    %get3A_463 = arith.constant 288 : index
    %get3A_464 = tpu.vector_load %arg7[%get3A_463] {strides = array<i32>} : memref<512xi32, #tpu.memory_space<vmem>>, vector<16xi32>,
    %get3A_465 = vector.shape_cast %get3A_464 : vector<16xi32> to vector<16xi32>
    %max3A_466 = arith.constant 1 : i32
    %max3A_467 = vector.broadcast %max3A_466 : i32 to vector<16xi32>
    %max3A_468 = arith.maxsi %get3A_465, %max3A_467 : vector<16xi32>
    %min3A_469 = arith.constant 510 : i32
    %min3A_470 = vector.broadcast %min3A_469 : i32 to vector<16xi32>
    %min3A_471 = arith.minsi %max3A_468, %min3A_470 : vector<16xi32>
    %sub3A_472 = arith.constant 1 : i32
    %sub3A_473 = vector.broadcast %sub3A_472 : i32 to vector<16xi32>
    %sub3A_474 = arith.subi %min3A_471, %sub3A_473 : vector<16xi32>
    %mul3A_475 = arith.constant 1000 : i32
    %mul3A_476 = vector.broadcast %mul3A_475 : i32 to vector<16xi32>
    %mul3A_477 = arith.muli %sub3A_474, %mul3A_476 : vector<16xi32>
    %get3A_478 = arith.constant 288 : index
    %get3A_479 = tpu.vector_load %arg6[%get3A_478] {strides = array<i32>} : memref<512xi32, #tpu.memory_space<vmem>>, vector<16xi32>,
    %get3A_480 = vector.shape_cast %get3A_479 : vector<16xi32> to vector<16xi32>
    %add3A_481 = arith.addi %mul3A_477, %get3A_480 : vector<16xi32>
    %swap3A_482 = arith.constant 288 : index
    %swap3A_483 = tpu.vector_load %arg8[%swap3A_482] {strides = array<i32>} : memref<512xi32, #tpu.memory_space<vmem>>, vector<16xi32>,
    %swap3A_484 = vector.shape_cast %swap3A_483 : vector<16xi32> to vector<16xi32>
    %swap3A_485 = vector.shape_cast %add3A_481 : vector<16xi32> to vector<16xi32>
    tpu.vector_store %arg8[%swap3A_482], %swap3A_485 {strides = array<i32>} : memref<512xi32, #tpu.memory_space<vmem>>, vector<16xi32>,
    %get3A_486 = arith.constant 304 : index
    %get3A_487 = tpu.vector_load %arg7[%get3A_486] {strides = array<i32>} : memref<512xi32, #tpu.memory_space<vmem>>, vector<16xi32>,
    %get3A_488 = vector.shape_cast %get3A_487 : vector<16xi32> to vector<16xi32>
    %max3A_489 = arith.constant 1 : i32
    %max3A_490 = vector.broadcast %max3A_489 : i32 to vector<16xi32>
    %max3A_491 = arith.maxsi %get3A_488, %max3A_490 : vector<16xi32>
    %min3A_492 = arith.constant 510 : i32
    %min3A_493 = vector.broadcast %min3A_492 : i32 to vector<16xi32>
    %min3A_494 = arith.minsi %max3A_491, %min3A_493 : vector<16xi32>
    %sub3A_495 = arith.constant 1 : i32
    %sub3A_496 = vector.broadcast %sub3A_495 : i32 to vector<16xi32>
    %sub3A_497 = arith.subi %min3A_494, %sub3A_496 : vector<16xi32>
    %mul3A_498 = arith.constant 1000 : i32
    %mul3A_499 = vector.broadcast %mul3A_498 : i32 to vector<16xi32>
    %mul3A_500 = arith.muli %sub3A_497, %mul3A_499 : vector<16xi32>
    %get3A_501 = arith.constant 304 : index
    %get3A_502 = tpu.vector_load %arg6[%get3A_501] {strides = array<i32>} : memref<512xi32, #tpu.memory_space<vmem>>, vector<16xi32>,
    %get3A_503 = vector.shape_cast %get3A_502 : vector<16xi32> to vector<16xi32>
    %add3A_504 = arith.addi %mul3A_500, %get3A_503 : vector<16xi32>
    %swap3A_505 = arith.constant 304 : index
    %swap3A_506 = tpu.vector_load %arg8[%swap3A_505] {strides = array<i32>} : memref<512xi32, #tpu.memory_space<vmem>>, vector<16xi32>,
    %swap3A_507 = vector.shape_cast %swap3A_506 : vector<16xi32> to vector<16xi32>
    %swap3A_508 = vector.shape_cast %add3A_504 : vector<16xi32> to vector<16xi32>
    tpu.vector_store %arg8[%swap3A_505], %swap3A_508 {strides = array<i32>} : memref<512xi32, #tpu.memory_space<vmem>>, vector<16xi32>,
    %dma_start3A_509 = arith.constant 288 : i32
    %dma_start3A_510 = tpu.memref_slice %arg8[%dma_start3A_509] : memref<512xi32, #tpu.memory_space<vmem>> -> memref<32xi32, #tpu.memory_space<vmem>>
    %dma_start3A_511 = arith.constant 0 : i32
    %dma_start3A_512 = arith.constant 0 : i32
    %dma_start3A_513 = tpu.memref_slice %arg2[%dma_start3A_511, %dma_start3A_512] : memref<510000x256xf32, #tpu.memory_space<hbm>> -> memref<510000x256xf32, #tpu.memory_space<hbm>>
    tpu.enqueue_indirect_dma source(%dma_start3A_513 : memref<510000x256xf32, #tpu.memory_space<hbm>>) target(%arg18 : memref<32x256xf32, #tpu.memory_space<vmem>>) offsets(%dma_start3A_510 : memref<32xi32, #tpu.memory_space<vmem>>) semaphore(%arg30 : memref<!tpu.dma_semaphore, #tpu.memory_space<semaphore_mem>>)
    %get3A_514 = arith.constant 320 : index
    %get3A_515 = tpu.vector_load %arg7[%get3A_514] {strides = array<i32>} : memref<512xi32, #tpu.memory_space<vmem>>, vector<16xi32>,
    %get3A_516 = vector.shape_cast %get3A_515 : vector<16xi32> to vector<16xi32>
    %max3A_517 = arith.constant 1 : i32
    %max3A_518 = vector.broadcast %max3A_517 : i32 to vector<16xi32>
    %max3A_519 = arith.maxsi %get3A_516, %max3A_518 : vector<16xi32>
    %min3A_520 = arith.constant 510 : i32
    %min3A_521 = vector.broadcast %min3A_520 : i32 to vector<16xi32>
    %min3A_522 = arith.minsi %max3A_519, %min3A_521 : vector<16xi32>
    %sub3A_523 = arith.constant 1 : i32
    %sub3A_524 = vector.broadcast %sub3A_523 : i32 to vector<16xi32>
    %sub3A_525 = arith.subi %min3A_522, %sub3A_524 : vector<16xi32>
    %mul3A_526 = arith.constant 1000 : i32
    %mul3A_527 = vector.broadcast %mul3A_526 : i32 to vector<16xi32>
    %mul3A_528 = arith.muli %sub3A_525, %mul3A_527 : vector<16xi32>
    %get3A_529 = arith.constant 320 : index
    %get3A_530 = tpu.vector_load %arg6[%get3A_529] {strides = array<i32>} : memref<512xi32, #tpu.memory_space<vmem>>, vector<16xi32>,
    %get3A_531 = vector.shape_cast %get3A_530 : vector<16xi32> to vector<16xi32>
    %add3A_532 = arith.addi %mul3A_528, %get3A_531 : vector<16xi32>
    %swap3A_533 = arith.constant 320 : index
    %swap3A_534 = tpu.vector_load %arg8[%swap3A_533] {strides = array<i32>} : memref<512xi32, #tpu.memory_space<vmem>>, vector<16xi32>,
    %swap3A_535 = vector.shape_cast %swap3A_534 : vector<16xi32> to vector<16xi32>
    %swap3A_536 = vector.shape_cast %add3A_532 : vector<16xi32> to vector<16xi32>
    tpu.vector_store %arg8[%swap3A_533], %swap3A_536 {strides = array<i32>} : memref<512xi32, #tpu.memory_space<vmem>>, vector<16xi32>,
    %get3A_537 = arith.constant 336 : index
    %get3A_538 = tpu.vector_load %arg7[%get3A_537] {strides = array<i32>} : memref<512xi32, #tpu.memory_space<vmem>>, vector<16xi32>,
    %get3A_539 = vector.shape_cast %get3A_538 : vector<16xi32> to vector<16xi32>
    %max3A_540 = arith.constant 1 : i32
    %max3A_541 = vector.broadcast %max3A_540 : i32 to vector<16xi32>
    %max3A_542 = arith.maxsi %get3A_539, %max3A_541 : vector<16xi32>
    %min3A_543 = arith.constant 510 : i32
    %min3A_544 = vector.broadcast %min3A_543 : i32 to vector<16xi32>
    %min3A_545 = arith.minsi %max3A_542, %min3A_544 : vector<16xi32>
    %sub3A_546 = arith.constant 1 : i32
    %sub3A_547 = vector.broadcast %sub3A_546 : i32 to vector<16xi32>
    %sub3A_548 = arith.subi %min3A_545, %sub3A_547 : vector<16xi32>
    %mul3A_549 = arith.constant 1000 : i32
    %mul3A_550 = vector.broadcast %mul3A_549 : i32 to vector<16xi32>
    %mul3A_551 = arith.muli %sub3A_548, %mul3A_550 : vector<16xi32>
    %get3A_552 = arith.constant 336 : index
    %get3A_553 = tpu.vector_load %arg6[%get3A_552] {strides = array<i32>} : memref<512xi32, #tpu.memory_space<vmem>>, vector<16xi32>,
    %get3A_554 = vector.shape_cast %get3A_553 : vector<16xi32> to vector<16xi32>
    %add3A_555 = arith.addi %mul3A_551, %get3A_554 : vector<16xi32>
    %swap3A_556 = arith.constant 336 : index
    %swap3A_557 = tpu.vector_load %arg8[%swap3A_556] {strides = array<i32>} : memref<512xi32, #tpu.memory_space<vmem>>, vector<16xi32>,
    %swap3A_558 = vector.shape_cast %swap3A_557 : vector<16xi32> to vector<16xi32>
    %swap3A_559 = vector.shape_cast %add3A_555 : vector<16xi32> to vector<16xi32>
    tpu.vector_store %arg8[%swap3A_556], %swap3A_559 {strides = array<i32>} : memref<512xi32, #tpu.memory_space<vmem>>, vector<16xi32>,
    %dma_start3A_560 = arith.constant 320 : i32
    %dma_start3A_561 = tpu.memref_slice %arg8[%dma_start3A_560] : memref<512xi32, #tpu.memory_space<vmem>> -> memref<32xi32, #tpu.memory_space<vmem>>
    %dma_start3A_562 = arith.constant 0 : i32
    %dma_start3A_563 = arith.constant 0 : i32
    %dma_start3A_564 = tpu.memref_slice %arg2[%dma_start3A_562, %dma_start3A_563] : memref<510000x256xf32, #tpu.memory_space<hbm>> -> memref<510000x256xf32, #tpu.memory_space<hbm>>
    tpu.enqueue_indirect_dma source(%dma_start3A_564 : memref<510000x256xf32, #tpu.memory_space<hbm>>) target(%arg19 : memref<32x256xf32, #tpu.memory_space<vmem>>) offsets(%dma_start3A_561 : memref<32xi32, #tpu.memory_space<vmem>>) semaphore(%arg31 : memref<!tpu.dma_semaphore, #tpu.memory_space<semaphore_mem>>)
    %get3A_565 = arith.constant 352 : index
    %get3A_566 = tpu.vector_load %arg7[%get3A_565] {strides = array<i32>} : memref<512xi32, #tpu.memory_space<vmem>>, vector<16xi32>,
    %get3A_567 = vector.shape_cast %get3A_566 : vector<16xi32> to vector<16xi32>
    %max3A_568 = arith.constant 1 : i32
    %max3A_569 = vector.broadcast %max3A_568 : i32 to vector<16xi32>
    %max3A_570 = arith.maxsi %get3A_567, %max3A_569 : vector<16xi32>
    %min3A_571 = arith.constant 510 : i32
    %min3A_572 = vector.broadcast %min3A_571 : i32 to vector<16xi32>
    %min3A_573 = arith.minsi %max3A_570, %min3A_572 : vector<16xi32>
    %sub3A_574 = arith.constant 1 : i32
    %sub3A_575 = vector.broadcast %sub3A_574 : i32 to vector<16xi32>
    %sub3A_576 = arith.subi %min3A_573, %sub3A_575 : vector<16xi32>
    %mul3A_577 = arith.constant 1000 : i32
    %mul3A_578 = vector.broadcast %mul3A_577 : i32 to vector<16xi32>
    %mul3A_579 = arith.muli %sub3A_576, %mul3A_578 : vector<16xi32>
    %get3A_580 = arith.constant 352 : index
    %get3A_581 = tpu.vector_load %arg6[%get3A_580] {strides = array<i32>} : memref<512xi32, #tpu.memory_space<vmem>>, vector<16xi32>,
    %get3A_582 = vector.shape_cast %get3A_581 : vector<16xi32> to vector<16xi32>
    %add3A_583 = arith.addi %mul3A_579, %get3A_582 : vector<16xi32>
    %swap3A_584 = arith.constant 352 : index
    %swap3A_585 = tpu.vector_load %arg8[%swap3A_584] {strides = array<i32>} : memref<512xi32, #tpu.memory_space<vmem>>, vector<16xi32>,
    %swap3A_586 = vector.shape_cast %swap3A_585 : vector<16xi32> to vector<16xi32>
    %swap3A_587 = vector.shape_cast %add3A_583 : vector<16xi32> to vector<16xi32>
    tpu.vector_store %arg8[%swap3A_584], %swap3A_587 {strides = array<i32>} : memref<512xi32, #tpu.memory_space<vmem>>, vector<16xi32>,
    %get3A_588 = arith.constant 368 : index
    %get3A_589 = tpu.vector_load %arg7[%get3A_588] {strides = array<i32>} : memref<512xi32, #tpu.memory_space<vmem>>, vector<16xi32>,
    %get3A_590 = vector.shape_cast %get3A_589 : vector<16xi32> to vector<16xi32>
    %max3A_591 = arith.constant 1 : i32
    %max3A_592 = vector.broadcast %max3A_591 : i32 to vector<16xi32>
    %max3A_593 = arith.maxsi %get3A_590, %max3A_592 : vector<16xi32>
    %min3A_594 = arith.constant 510 : i32
    %min3A_595 = vector.broadcast %min3A_594 : i32 to vector<16xi32>
    %min3A_596 = arith.minsi %max3A_593, %min3A_595 : vector<16xi32>
    %sub3A_597 = arith.constant 1 : i32
    %sub3A_598 = vector.broadcast %sub3A_597 : i32 to vector<16xi32>
    %sub3A_599 = arith.subi %min3A_596, %sub3A_598 : vector<16xi32>
    %mul3A_600 = arith.constant 1000 : i32
    %mul3A_601 = vector.broadcast %mul3A_600 : i32 to vector<16xi32>
    %mul3A_602 = arith.muli %sub3A_599, %mul3A_601 : vector<16xi32>
    %get3A_603 = arith.constant 368 : index
    %get3A_604 = tpu.vector_load %arg6[%get3A_603] {strides = array<i32>} : memref<512xi32, #tpu.memory_space<vmem>>, vector<16xi32>,
    %get3A_605 = vector.shape_cast %get3A_604 : vector<16xi32> to vector<16xi32>
    %add3A_606 = arith.addi %mul3A_602, %get3A_605 : vector<16xi32>
    %swap3A_607 = arith.constant 368 : index
    %swap3A_608 = tpu.vector_load %arg8[%swap3A_607] {strides = array<i32>} : memref<512xi32, #tpu.memory_space<vmem>>, vector<16xi32>,
    %swap3A_609 = vector.shape_cast %swap3A_608 : vector<16xi32> to vector<16xi32>
    %swap3A_610 = vector.shape_cast %add3A_606 : vector<16xi32> to vector<16xi32>
    tpu.vector_store %arg8[%swap3A_607], %swap3A_610 {strides = array<i32>} : memref<512xi32, #tpu.memory_space<vmem>>, vector<16xi32>,
    %dma_start3A_611 = arith.constant 352 : i32
    %dma_start3A_612 = tpu.memref_slice %arg8[%dma_start3A_611] : memref<512xi32, #tpu.memory_space<vmem>> -> memref<32xi32, #tpu.memory_space<vmem>>
    %dma_start3A_613 = arith.constant 0 : i32
    %dma_start3A_614 = arith.constant 0 : i32
    %dma_start3A_615 = tpu.memref_slice %arg2[%dma_start3A_613, %dma_start3A_614] : memref<510000x256xf32, #tpu.memory_space<hbm>> -> memref<510000x256xf32, #tpu.memory_space<hbm>>
    tpu.enqueue_indirect_dma source(%dma_start3A_615 : memref<510000x256xf32, #tpu.memory_space<hbm>>) target(%arg20 : memref<32x256xf32, #tpu.memory_space<vmem>>) offsets(%dma_start3A_612 : memref<32xi32, #tpu.memory_space<vmem>>) semaphore(%arg32 : memref<!tpu.dma_semaphore, #tpu.memory_space<semaphore_mem>>)
    %get3A_616 = arith.constant 384 : index
    %get3A_617 = tpu.vector_load %arg7[%get3A_616] {strides = array<i32>} : memref<512xi32, #tpu.memory_space<vmem>>, vector<16xi32>,
    %get3A_618 = vector.shape_cast %get3A_617 : vector<16xi32> to vector<16xi32>
    %max3A_619 = arith.constant 1 : i32
    %max3A_620 = vector.broadcast %max3A_619 : i32 to vector<16xi32>
    %max3A_621 = arith.maxsi %get3A_618, %max3A_620 : vector<16xi32>
    %min3A_622 = arith.constant 510 : i32
    %min3A_623 = vector.broadcast %min3A_622 : i32 to vector<16xi32>
    %min3A_624 = arith.minsi %max3A_621, %min3A_623 : vector<16xi32>
    %sub3A_625 = arith.constant 1 : i32
    %sub3A_626 = vector.broadcast %sub3A_625 : i32 to vector<16xi32>
    %sub3A_627 = arith.subi %min3A_624, %sub3A_626 : vector<16xi32>
    %mul3A_628 = arith.constant 1000 : i32
    %mul3A_629 = vector.broadcast %mul3A_628 : i32 to vector<16xi32>
    %mul3A_630 = arith.muli %sub3A_627, %mul3A_629 : vector<16xi32>
    %get3A_631 = arith.constant 384 : index
    %get3A_632 = tpu.vector_load %arg6[%get3A_631] {strides = array<i32>} : memref<512xi32, #tpu.memory_space<vmem>>, vector<16xi32>,
    %get3A_633 = vector.shape_cast %get3A_632 : vector<16xi32> to vector<16xi32>
    %add3A_634 = arith.addi %mul3A_630, %get3A_633 : vector<16xi32>
    %swap3A_635 = arith.constant 384 : index
    %swap3A_636 = tpu.vector_load %arg8[%swap3A_635] {strides = array<i32>} : memref<512xi32, #tpu.memory_space<vmem>>, vector<16xi32>,
    %swap3A_637 = vector.shape_cast %swap3A_636 : vector<16xi32> to vector<16xi32>
    %swap3A_638 = vector.shape_cast %add3A_634 : vector<16xi32> to vector<16xi32>
    tpu.vector_store %arg8[%swap3A_635], %swap3A_638 {strides = array<i32>} : memref<512xi32, #tpu.memory_space<vmem>>, vector<16xi32>,
    %get3A_639 = arith.constant 400 : index
    %get3A_640 = tpu.vector_load %arg7[%get3A_639] {strides = array<i32>} : memref<512xi32, #tpu.memory_space<vmem>>, vector<16xi32>,
    %get3A_641 = vector.shape_cast %get3A_640 : vector<16xi32> to vector<16xi32>
    %max3A_642 = arith.constant 1 : i32
    %max3A_643 = vector.broadcast %max3A_642 : i32 to vector<16xi32>
    %max3A_644 = arith.maxsi %get3A_641, %max3A_643 : vector<16xi32>
    %min3A_645 = arith.constant 510 : i32
    %min3A_646 = vector.broadcast %min3A_645 : i32 to vector<16xi32>
    %min3A_647 = arith.minsi %max3A_644, %min3A_646 : vector<16xi32>
    %sub3A_648 = arith.constant 1 : i32
    %sub3A_649 = vector.broadcast %sub3A_648 : i32 to vector<16xi32>
    %sub3A_650 = arith.subi %min3A_647, %sub3A_649 : vector<16xi32>
    %mul3A_651 = arith.constant 1000 : i32
    %mul3A_652 = vector.broadcast %mul3A_651 : i32 to vector<16xi32>
    %mul3A_653 = arith.muli %sub3A_650, %mul3A_652 : vector<16xi32>
    %get3A_654 = arith.constant 400 : index
    %get3A_655 = tpu.vector_load %arg6[%get3A_654] {strides = array<i32>} : memref<512xi32, #tpu.memory_space<vmem>>, vector<16xi32>,
    %get3A_656 = vector.shape_cast %get3A_655 : vector<16xi32> to vector<16xi32>
    %add3A_657 = arith.addi %mul3A_653, %get3A_656 : vector<16xi32>
    %swap3A_658 = arith.constant 400 : index
    %swap3A_659 = tpu.vector_load %arg8[%swap3A_658] {strides = array<i32>} : memref<512xi32, #tpu.memory_space<vmem>>, vector<16xi32>,
    %swap3A_660 = vector.shape_cast %swap3A_659 : vector<16xi32> to vector<16xi32>
    %swap3A_661 = vector.shape_cast %add3A_657 : vector<16xi32> to vector<16xi32>
    tpu.vector_store %arg8[%swap3A_658], %swap3A_661 {strides = array<i32>} : memref<512xi32, #tpu.memory_space<vmem>>, vector<16xi32>,
    %get3A_662 = arith.constant 416 : index
    %get3A_663 = tpu.vector_load %arg7[%get3A_662] {strides = array<i32>} : memref<512xi32, #tpu.memory_space<vmem>>, vector<16xi32>,
    %get3A_664 = vector.shape_cast %get3A_663 : vector<16xi32> to vector<16xi32>
    %max3A_665 = arith.constant 1 : i32
    %max3A_666 = vector.broadcast %max3A_665 : i32 to vector<16xi32>
    %max3A_667 = arith.maxsi %get3A_664, %max3A_666 : vector<16xi32>
    %min3A_668 = arith.constant 510 : i32
    %min3A_669 = vector.broadcast %min3A_668 : i32 to vector<16xi32>
    %min3A_670 = arith.minsi %max3A_667, %min3A_669 : vector<16xi32>
    %sub3A_671 = arith.constant 1 : i32
    %sub3A_672 = vector.broadcast %sub3A_671 : i32 to vector<16xi32>
    %sub3A_673 = arith.subi %min3A_670, %sub3A_672 : vector<16xi32>
    %mul3A_674 = arith.constant 1000 : i32
    %mul3A_675 = vector.broadcast %mul3A_674 : i32 to vector<16xi32>
    %mul3A_676 = arith.muli %sub3A_673, %mul3A_675 : vector<16xi32>
    %get3A_677 = arith.constant 416 : index
    %get3A_678 = tpu.vector_load %arg6[%get3A_677] {strides = array<i32>} : memref<512xi32, #tpu.memory_space<vmem>>, vector<16xi32>,
    %get3A_679 = vector.shape_cast %get3A_678 : vector<16xi32> to vector<16xi32>
    %add3A_680 = arith.addi %mul3A_676, %get3A_679 : vector<16xi32>
    %swap3A_681 = arith.constant 416 : index
    %swap3A_682 = tpu.vector_load %arg8[%swap3A_681] {strides = array<i32>} : memref<512xi32, #tpu.memory_space<vmem>>, vector<16xi32>,
    %swap3A_683 = vector.shape_cast %swap3A_682 : vector<16xi32> to vector<16xi32>
    %swap3A_684 = vector.shape_cast %add3A_680 : vector<16xi32> to vector<16xi32>
    tpu.vector_store %arg8[%swap3A_681], %swap3A_684 {strides = array<i32>} : memref<512xi32, #tpu.memory_space<vmem>>, vector<16xi32>,
    %get3A_685 = arith.constant 432 : index
    %get3A_686 = tpu.vector_load %arg7[%get3A_685] {strides = array<i32>} : memref<512xi32, #tpu.memory_space<vmem>>, vector<16xi32>,
    %get3A_687 = vector.shape_cast %get3A_686 : vector<16xi32> to vector<16xi32>
    %max3A_688 = arith.constant 1 : i32
    %max3A_689 = vector.broadcast %max3A_688 : i32 to vector<16xi32>
    %max3A_690 = arith.maxsi %get3A_687, %max3A_689 : vector<16xi32>
    %min3A_691 = arith.constant 510 : i32
    %min3A_692 = vector.broadcast %min3A_691 : i32 to vector<16xi32>
    %min3A_693 = arith.minsi %max3A_690, %min3A_692 : vector<16xi32>
    %sub3A_694 = arith.constant 1 : i32
    %sub3A_695 = vector.broadcast %sub3A_694 : i32 to vector<16xi32>
    %sub3A_696 = arith.subi %min3A_693, %sub3A_695 : vector<16xi32>
    %mul3A_697 = arith.constant 1000 : i32
    %mul3A_698 = vector.broadcast %mul3A_697 : i32 to vector<16xi32>
    %mul3A_699 = arith.muli %sub3A_696, %mul3A_698 : vector<16xi32>
    %get3A_700 = arith.constant 432 : index
    %get3A_701 = tpu.vector_load %arg6[%get3A_700] {strides = array<i32>} : memref<512xi32, #tpu.memory_space<vmem>>, vector<16xi32>,
    %get3A_702 = vector.shape_cast %get3A_701 : vector<16xi32> to vector<16xi32>
    %add3A_703 = arith.addi %mul3A_699, %get3A_702 : vector<16xi32>
    %swap3A_704 = arith.constant 432 : index
    %swap3A_705 = tpu.vector_load %arg8[%swap3A_704] {strides = array<i32>} : memref<512xi32, #tpu.memory_space<vmem>>, vector<16xi32>,
    %swap3A_706 = vector.shape_cast %swap3A_705 : vector<16xi32> to vector<16xi32>
    %swap3A_707 = vector.shape_cast %add3A_703 : vector<16xi32> to vector<16xi32>
    tpu.vector_store %arg8[%swap3A_704], %swap3A_707 {strides = array<i32>} : memref<512xi32, #tpu.memory_space<vmem>>, vector<16xi32>,
    %get3A_708 = arith.constant 448 : index
    %get3A_709 = tpu.vector_load %arg7[%get3A_708] {strides = array<i32>} : memref<512xi32, #tpu.memory_space<vmem>>, vector<16xi32>,
    %get3A_710 = vector.shape_cast %get3A_709 : vector<16xi32> to vector<16xi32>
    %max3A_711 = arith.constant 1 : i32
    %max3A_712 = vector.broadcast %max3A_711 : i32 to vector<16xi32>
    %max3A_713 = arith.maxsi %get3A_710, %max3A_712 : vector<16xi32>
    %min3A_714 = arith.constant 510 : i32
    %min3A_715 = vector.broadcast %min3A_714 : i32 to vector<16xi32>
    %min3A_716 = arith.minsi %max3A_713, %min3A_715 : vector<16xi32>
    %sub3A_717 = arith.constant 1 : i32
    %sub3A_718 = vector.broadcast %sub3A_717 : i32 to vector<16xi32>
    %sub3A_719 = arith.subi %min3A_716, %sub3A_718 : vector<16xi32>
    %mul3A_720 = arith.constant 1000 : i32
    %mul3A_721 = vector.broadcast %mul3A_720 : i32 to vector<16xi32>
    %mul3A_722 = arith.muli %sub3A_719, %mul3A_721 : vector<16xi32>
    %get3A_723 = arith.constant 448 : index
    %get3A_724 = tpu.vector_load %arg6[%get3A_723] {strides = array<i32>} : memref<512xi32, #tpu.memory_space<vmem>>, vector<16xi32>,
    %get3A_725 = vector.shape_cast %get3A_724 : vector<16xi32> to vector<16xi32>
    %add3A_726 = arith.addi %mul3A_722, %get3A_725 : vector<16xi32>
    %swap3A_727 = arith.constant 448 : index
    %swap3A_728 = tpu.vector_load %arg8[%swap3A_727] {strides = array<i32>} : memref<512xi32, #tpu.memory_space<vmem>>, vector<16xi32>,
    %swap3A_729 = vector.shape_cast %swap3A_728 : vector<16xi32> to vector<16xi32>
    %swap3A_730 = vector.shape_cast %add3A_726 : vector<16xi32> to vector<16xi32>
    tpu.vector_store %arg8[%swap3A_727], %swap3A_730 {strides = array<i32>} : memref<512xi32, #tpu.memory_space<vmem>>, vector<16xi32>,
    %get3A_731 = arith.constant 464 : index
    %get3A_732 = tpu.vector_load %arg7[%get3A_731] {strides = array<i32>} : memref<512xi32, #tpu.memory_space<vmem>>, vector<16xi32>,
    %get3A_733 = vector.shape_cast %get3A_732 : vector<16xi32> to vector<16xi32>
    %max3A_734 = arith.constant 1 : i32
    %max3A_735 = vector.broadcast %max3A_734 : i32 to vector<16xi32>
    %max3A_736 = arith.maxsi %get3A_733, %max3A_735 : vector<16xi32>
    %min3A_737 = arith.constant 510 : i32
    %min3A_738 = vector.broadcast %min3A_737 : i32 to vector<16xi32>
    %min3A_739 = arith.minsi %max3A_736, %min3A_738 : vector<16xi32>
    %sub3A_740 = arith.constant 1 : i32
    %sub3A_741 = vector.broadcast %sub3A_740 : i32 to vector<16xi32>
    %sub3A_742 = arith.subi %min3A_739, %sub3A_741 : vector<16xi32>
    %mul3A_743 = arith.constant 1000 : i32
    %mul3A_744 = vector.broadcast %mul3A_743 : i32 to vector<16xi32>
    %mul3A_745 = arith.muli %sub3A_742, %mul3A_744 : vector<16xi32>
    %get3A_746 = arith.constant 464 : index
    %get3A_747 = tpu.vector_load %arg6[%get3A_746] {strides = array<i32>} : memref<512xi32, #tpu.memory_space<vmem>>, vector<16xi32>,
    %get3A_748 = vector.shape_cast %get3A_747 : vector<16xi32> to vector<16xi32>
    %add3A_749 = arith.addi %mul3A_745, %get3A_748 : vector<16xi32>
    %swap3A_750 = arith.constant 464 : index
    %swap3A_751 = tpu.vector_load %arg8[%swap3A_750] {strides = array<i32>} : memref<512xi32, #tpu.memory_space<vmem>>, vector<16xi32>,
    %swap3A_752 = vector.shape_cast %swap3A_751 : vector<16xi32> to vector<16xi32>
    %swap3A_753 = vector.shape_cast %add3A_749 : vector<16xi32> to vector<16xi32>
    tpu.vector_store %arg8[%swap3A_750], %swap3A_753 {strides = array<i32>} : memref<512xi32, #tpu.memory_space<vmem>>, vector<16xi32>,
    %get3A_754 = arith.constant 480 : index
    %get3A_755 = tpu.vector_load %arg7[%get3A_754] {strides = array<i32>} : memref<512xi32, #tpu.memory_space<vmem>>, vector<16xi32>,
    %get3A_756 = vector.shape_cast %get3A_755 : vector<16xi32> to vector<16xi32>
    %max3A_757 = arith.constant 1 : i32
    %max3A_758 = vector.broadcast %max3A_757 : i32 to vector<16xi32>
    %max3A_759 = arith.maxsi %get3A_756, %max3A_758 : vector<16xi32>
    %min3A_760 = arith.constant 510 : i32
    %min3A_761 = vector.broadcast %min3A_760 : i32 to vector<16xi32>
    %min3A_762 = arith.minsi %max3A_759, %min3A_761 : vector<16xi32>
    %sub3A_763 = arith.constant 1 : i32
    %sub3A_764 = vector.broadcast %sub3A_763 : i32 to vector<16xi32>
    %sub3A_765 = arith.subi %min3A_762, %sub3A_764 : vector<16xi32>
    %mul3A_766 = arith.constant 1000 : i32
    %mul3A_767 = vector.broadcast %mul3A_766 : i32 to vector<16xi32>
    %mul3A_768 = arith.muli %sub3A_765, %mul3A_767 : vector<16xi32>
    %get3A_769 = arith.constant 480 : index
    %get3A_770 = tpu.vector_load %arg6[%get3A_769] {strides = array<i32>} : memref<512xi32, #tpu.memory_space<vmem>>, vector<16xi32>,
    %get3A_771 = vector.shape_cast %get3A_770 : vector<16xi32> to vector<16xi32>
    %add3A_772 = arith.addi %mul3A_768, %get3A_771 : vector<16xi32>
    %swap3A_773 = arith.constant 480 : index
    %swap3A_774 = tpu.vector_load %arg8[%swap3A_773] {strides = array<i32>} : memref<512xi32, #tpu.memory_space<vmem>>, vector<16xi32>,
    %swap3A_775 = vector.shape_cast %swap3A_774 : vector<16xi32> to vector<16xi32>
    %swap3A_776 = vector.shape_cast %add3A_772 : vector<16xi32> to vector<16xi32>
    tpu.vector_store %arg8[%swap3A_773], %swap3A_776 {strides = array<i32>} : memref<512xi32, #tpu.memory_space<vmem>>, vector<16xi32>,
    %get3A_777 = arith.constant 496 : index
    %get3A_778 = tpu.vector_load %arg7[%get3A_777] {strides = array<i32>} : memref<512xi32, #tpu.memory_space<vmem>>, vector<16xi32>,
    %get3A_779 = vector.shape_cast %get3A_778 : vector<16xi32> to vector<16xi32>
    %max3A_780 = arith.constant 1 : i32
    %max3A_781 = vector.broadcast %max3A_780 : i32 to vector<16xi32>
    %max3A_782 = arith.maxsi %get3A_779, %max3A_781 : vector<16xi32>
    %min3A_783 = arith.constant 510 : i32
    %min3A_784 = vector.broadcast %min3A_783 : i32 to vector<16xi32>
    %min3A_785 = arith.minsi %max3A_782, %min3A_784 : vector<16xi32>
    %sub3A_786 = arith.constant 1 : i32
    %sub3A_787 = vector.broadcast %sub3A_786 : i32 to vector<16xi32>
    %sub3A_788 = arith.subi %min3A_785, %sub3A_787 : vector<16xi32>
    %mul3A_789 = arith.constant 1000 : i32
    %mul3A_790 = vector.broadcast %mul3A_789 : i32 to vector<16xi32>
    %mul3A_791 = arith.muli %sub3A_788, %mul3A_790 : vector<16xi32>
    %get3A_792 = arith.constant 496 : index
    %get3A_793 = tpu.vector_load %arg6[%get3A_792] {strides = array<i32>} : memref<512xi32, #tpu.memory_space<vmem>>, vector<16xi32>,
    %get3A_794 = vector.shape_cast %get3A_793 : vector<16xi32> to vector<16xi32>
    %add3A_795 = arith.addi %mul3A_791, %get3A_794 : vector<16xi32>
    %swap3A_796 = arith.constant 496 : index
    %swap3A_797 = tpu.vector_load %arg8[%swap3A_796] {strides = array<i32>} : memref<512xi32, #tpu.memory_space<vmem>>, vector<16xi32>,
    %swap3A_798 = vector.shape_cast %swap3A_797 : vector<16xi32> to vector<16xi32>
    %swap3A_799 = vector.shape_cast %add3A_795 : vector<16xi32> to vector<16xi32>
    tpu.vector_store %arg8[%swap3A_796], %swap3A_799 {strides = array<i32>} : memref<512xi32, #tpu.memory_space<vmem>>, vector<16xi32>,
    %dma_wait3A_800 = arith.constant 0 : i32
    %dma_wait3A_801 = tpu.memref_slice %arg8[%dma_wait3A_800] : memref<512xi32, #tpu.memory_space<vmem>> -> memref<32xi32, #tpu.memory_space<vmem>>
    %dma_wait3A_802 = arith.constant 0 : i32
    %dma_wait3A_803 = arith.constant 0 : i32
    %dma_wait3A_804 = tpu.memref_slice %arg2[%dma_wait3A_802, %dma_wait3A_803] : memref<510000x256xf32, #tpu.memory_space<hbm>> -> memref<510000x256xf32, #tpu.memory_space<hbm>>
    tpu.wait_indirect_dma semaphore(%arg21 : memref<!tpu.dma_semaphore, #tpu.memory_space<semaphore_mem>>) src(%dma_wait3A_804 : memref<510000x256xf32, #tpu.memory_space<hbm>>) dst(%arg9 : memref<32x256xf32, #tpu.memory_space<vmem>>)
    %add3A_805 = arith.constant 0 : i32
    %add3A_806 = arith.addi %mul3A_2, %add3A_805 : i32
    %dma_start3A_807 = arith.constant 0 : i32
    %dma_start3A_808 = tpu.memref_slice %arg5[%add3A_806, %dma_start3A_807] : memref<16384x256xf32, #tpu.memory_space<hbm>> -> memref<32x256xf32, #tpu.memory_space<hbm>>
    %dma_start3A_809 = arith.constant 0 : i32
    %dma_start3A_810 = tpu.memref_slice %arg5[%add3A_806, %dma_start3A_809] : memref<16384x256xf32, #tpu.memory_space<hbm>> -> memref<32x256xf32, #tpu.memory_space<hbm>>
    tpu.enqueue_dma source(%arg9 : memref<32x256xf32, #tpu.memory_space<vmem>>) target(%dma_start3A_810 : memref<32x256xf32, #tpu.memory_space<hbm>>) target_semaphore(%arg33 : memref<!tpu.dma_semaphore, #tpu.memory_space<semaphore_mem>>)
    %dma_wait3A_811 = arith.constant 32 : i32
    %dma_wait3A_812 = tpu.memref_slice %arg8[%dma_wait3A_811] : memref<512xi32, #tpu.memory_space<vmem>> -> memref<32xi32, #tpu.memory_space<vmem>>
    %dma_wait3A_813 = arith.constant 0 : i32
    %dma_wait3A_814 = arith.constant 0 : i32
    %dma_wait3A_815 = tpu.memref_slice %arg2[%dma_wait3A_813, %dma_wait3A_814] : memref<510000x256xf32, #tpu.memory_space<hbm>> -> memref<510000x256xf32, #tpu.memory_space<hbm>>
    tpu.wait_indirect_dma semaphore(%arg22 : memref<!tpu.dma_semaphore, #tpu.memory_space<semaphore_mem>>) src(%dma_wait3A_815 : memref<510000x256xf32, #tpu.memory_space<hbm>>) dst(%arg10 : memref<32x256xf32, #tpu.memory_space<vmem>>)
    %add3A_816 = arith.constant 32 : i32
    %add3A_817 = arith.addi %mul3A_2, %add3A_816 : i32
    %dma_start3A_818 = arith.constant 0 : i32
    %dma_start3A_819 = tpu.memref_slice %arg5[%add3A_817, %dma_start3A_818] : memref<16384x256xf32, #tpu.memory_space<hbm>> -> memref<32x256xf32, #tpu.memory_space<hbm>>
    %dma_start3A_820 = arith.constant 0 : i32
    %dma_start3A_821 = tpu.memref_slice %arg5[%add3A_817, %dma_start3A_820] : memref<16384x256xf32, #tpu.memory_space<hbm>> -> memref<32x256xf32, #tpu.memory_space<hbm>>
    tpu.enqueue_dma source(%arg10 : memref<32x256xf32, #tpu.memory_space<vmem>>) target(%dma_start3A_821 : memref<32x256xf32, #tpu.memory_space<hbm>>) target_semaphore(%arg34 : memref<!tpu.dma_semaphore, #tpu.memory_space<semaphore_mem>>)
    %dma_wait3A_822 = arith.constant 0 : i32
    %dma_wait3A_823 = tpu.memref_slice %arg5[%add3A_806, %dma_wait3A_822] : memref<16384x256xf32, #tpu.memory_space<hbm>> -> memref<32x256xf32, #tpu.memory_space<hbm>>
    %dma_wait3A_824 = arith.constant 0 : i32
    %dma_wait3A_825 = tpu.memref_slice %arg5[%add3A_806, %dma_wait3A_824] : memref<16384x256xf32, #tpu.memory_space<hbm>> -> memref<32x256xf32, #tpu.memory_space<hbm>>
    tpu.wait_dma2 semaphore(%arg33 : memref<!tpu.dma_semaphore, #tpu.memory_space<semaphore_mem>>) src(%arg9 : memref<32x256xf32, #tpu.memory_space<vmem>>) dst(%dma_wait3A_825 : memref<32x256xf32, #tpu.memory_space<hbm>>)
    %dma_start3A_826 = arith.constant 384 : i32
    %dma_start3A_827 = tpu.memref_slice %arg8[%dma_start3A_826] : memref<512xi32, #tpu.memory_space<vmem>> -> memref<32xi32, #tpu.memory_space<vmem>>
    %dma_start3A_828 = arith.constant 0 : i32
    %dma_start3A_829 = arith.constant 0 : i32
    %dma_start3A_830 = tpu.memref_slice %arg2[%dma_start3A_828, %dma_start3A_829] : memref<510000x256xf32, #tpu.memory_space<hbm>> -> memref<510000x256xf32, #tpu.memory_space<hbm>>
    tpu.enqueue_indirect_dma source(%dma_start3A_830 : memref<510000x256xf32, #tpu.memory_space<hbm>>) target(%arg9 : memref<32x256xf32, #tpu.memory_space<vmem>>) offsets(%dma_start3A_827 : memref<32xi32, #tpu.memory_space<vmem>>) semaphore(%arg21 : memref<!tpu.dma_semaphore, #tpu.memory_space<semaphore_mem>>)
    %dma_wait3A_831 = arith.constant 64 : i32
    %dma_wait3A_832 = tpu.memref_slice %arg8[%dma_wait3A_831] : memref<512xi32, #tpu.memory_space<vmem>> -> memref<32xi32, #tpu.memory_space<vmem>>
    %dma_wait3A_833 = arith.constant 0 : i32
    %dma_wait3A_834 = arith.constant 0 : i32
    %dma_wait3A_835 = tpu.memref_slice %arg2[%dma_wait3A_833, %dma_wait3A_834] : memref<510000x256xf32, #tpu.memory_space<hbm>> -> memref<510000x256xf32, #tpu.memory_space<hbm>>
    tpu.wait_indirect_dma semaphore(%arg23 : memref<!tpu.dma_semaphore, #tpu.memory_space<semaphore_mem>>) src(%dma_wait3A_835 : memref<510000x256xf32, #tpu.memory_space<hbm>>) dst(%arg11 : memref<32x256xf32, #tpu.memory_space<vmem>>)
    %add3A_836 = arith.constant 64 : i32
    %add3A_837 = arith.addi %mul3A_2, %add3A_836 : i32
    %dma_start3A_838 = arith.constant 0 : i32
    %dma_start3A_839 = tpu.memref_slice %arg5[%add3A_837, %dma_start3A_838] : memref<16384x256xf32, #tpu.memory_space<hbm>> -> memref<32x256xf32, #tpu.memory_space<hbm>>
    %dma_start3A_840 = arith.constant 0 : i32
    %dma_start3A_841 = tpu.memref_slice %arg5[%add3A_837, %dma_start3A_840] : memref<16384x256xf32, #tpu.memory_space<hbm>> -> memref<32x256xf32, #tpu.memory_space<hbm>>
    tpu.enqueue_dma source(%arg11 : memref<32x256xf32, #tpu.memory_space<vmem>>) target(%dma_start3A_841 : memref<32x256xf32, #tpu.memory_space<hbm>>) target_semaphore(%arg35 : memref<!tpu.dma_semaphore, #tpu.memory_space<semaphore_mem>>)
    %dma_wait3A_842 = arith.constant 0 : i32
    %dma_wait3A_843 = tpu.memref_slice %arg5[%add3A_817, %dma_wait3A_842] : memref<16384x256xf32, #tpu.memory_space<hbm>> -> memref<32x256xf32, #tpu.memory_space<hbm>>
    %dma_wait3A_844 = arith.constant 0 : i32
    %dma_wait3A_845 = tpu.memref_slice %arg5[%add3A_817, %dma_wait3A_844] : memref<16384x256xf32, #tpu.memory_space<hbm>> -> memref<32x256xf32, #tpu.memory_space<hbm>>
    tpu.wait_dma2 semaphore(%arg34 : memref<!tpu.dma_semaphore, #tpu.memory_space<semaphore_mem>>) src(%arg10 : memref<32x256xf32, #tpu.memory_space<vmem>>) dst(%dma_wait3A_845 : memref<32x256xf32, #tpu.memory_space<hbm>>)
    %dma_start3A_846 = arith.constant 416 : i32
    %dma_start3A_847 = tpu.memref_slice %arg8[%dma_start3A_846] : memref<512xi32, #tpu.memory_space<vmem>> -> memref<32xi32, #tpu.memory_space<vmem>>
    %dma_start3A_848 = arith.constant 0 : i32
    %dma_start3A_849 = arith.constant 0 : i32
    %dma_start3A_850 = tpu.memref_slice %arg2[%dma_start3A_848, %dma_start3A_849] : memref<510000x256xf32, #tpu.memory_space<hbm>> -> memref<510000x256xf32, #tpu.memory_space<hbm>>
    tpu.enqueue_indirect_dma source(%dma_start3A_850 : memref<510000x256xf32, #tpu.memory_space<hbm>>) target(%arg10 : memref<32x256xf32, #tpu.memory_space<vmem>>) offsets(%dma_start3A_847 : memref<32xi32, #tpu.memory_space<vmem>>) semaphore(%arg22 : memref<!tpu.dma_semaphore, #tpu.memory_space<semaphore_mem>>)
    %dma_wait3A_851 = arith.constant 96 : i32
    %dma_wait3A_852 = tpu.memref_slice %arg8[%dma_wait3A_851] : memref<512xi32, #tpu.memory_space<vmem>> -> memref<32xi32, #tpu.memory_space<vmem>>
    %dma_wait3A_853 = arith.constant 0 : i32
    %dma_wait3A_854 = arith.constant 0 : i32
    %dma_wait3A_855 = tpu.memref_slice %arg2[%dma_wait3A_853, %dma_wait3A_854] : memref<510000x256xf32, #tpu.memory_space<hbm>> -> memref<510000x256xf32, #tpu.memory_space<hbm>>
    tpu.wait_indirect_dma semaphore(%arg24 : memref<!tpu.dma_semaphore, #tpu.memory_space<semaphore_mem>>) src(%dma_wait3A_855 : memref<510000x256xf32, #tpu.memory_space<hbm>>) dst(%arg12 : memref<32x256xf32, #tpu.memory_space<vmem>>)
    %add3A_856 = arith.constant 96 : i32
    %add3A_857 = arith.addi %mul3A_2, %add3A_856 : i32
    %dma_start3A_858 = arith.constant 0 : i32
    %dma_start3A_859 = tpu.memref_slice %arg5[%add3A_857, %dma_start3A_858] : memref<16384x256xf32, #tpu.memory_space<hbm>> -> memref<32x256xf32, #tpu.memory_space<hbm>>
    %dma_start3A_860 = arith.constant 0 : i32
    %dma_start3A_861 = tpu.memref_slice %arg5[%add3A_857, %dma_start3A_860] : memref<16384x256xf32, #tpu.memory_space<hbm>> -> memref<32x256xf32, #tpu.memory_space<hbm>>
    tpu.enqueue_dma source(%arg12 : memref<32x256xf32, #tpu.memory_space<vmem>>) target(%dma_start3A_861 : memref<32x256xf32, #tpu.memory_space<hbm>>) target_semaphore(%arg36 : memref<!tpu.dma_semaphore, #tpu.memory_space<semaphore_mem>>)
    %dma_wait3A_862 = arith.constant 0 : i32
    %dma_wait3A_863 = tpu.memref_slice %arg5[%add3A_837, %dma_wait3A_862] : memref<16384x256xf32, #tpu.memory_space<hbm>> -> memref<32x256xf32, #tpu.memory_space<hbm>>
    %dma_wait3A_864 = arith.constant 0 : i32
    %dma_wait3A_865 = tpu.memref_slice %arg5[%add3A_837, %dma_wait3A_864] : memref<16384x256xf32, #tpu.memory_space<hbm>> -> memref<32x256xf32, #tpu.memory_space<hbm>>
    tpu.wait_dma2 semaphore(%arg35 : memref<!tpu.dma_semaphore, #tpu.memory_space<semaphore_mem>>) src(%arg11 : memref<32x256xf32, #tpu.memory_space<vmem>>) dst(%dma_wait3A_865 : memref<32x256xf32, #tpu.memory_space<hbm>>)
    %dma_start3A_866 = arith.constant 448 : i32
    %dma_start3A_867 = tpu.memref_slice %arg8[%dma_start3A_866] : memref<512xi32, #tpu.memory_space<vmem>> -> memref<32xi32, #tpu.memory_space<vmem>>
    %dma_start3A_868 = arith.constant 0 : i32
    %dma_start3A_869 = arith.constant 0 : i32
    %dma_start3A_870 = tpu.memref_slice %arg2[%dma_start3A_868, %dma_start3A_869] : memref<510000x256xf32, #tpu.memory_space<hbm>> -> memref<510000x256xf32, #tpu.memory_space<hbm>>
    tpu.enqueue_indirect_dma source(%dma_start3A_870 : memref<510000x256xf32, #tpu.memory_space<hbm>>) target(%arg11 : memref<32x256xf32, #tpu.memory_space<vmem>>) offsets(%dma_start3A_867 : memref<32xi32, #tpu.memory_space<vmem>>) semaphore(%arg23 : memref<!tpu.dma_semaphore, #tpu.memory_space<semaphore_mem>>)
    %dma_wait3A_871 = arith.constant 128 : i32
    %dma_wait3A_872 = tpu.memref_slice %arg8[%dma_wait3A_871] : memref<512xi32, #tpu.memory_space<vmem>> -> memref<32xi32, #tpu.memory_space<vmem>>
    %dma_wait3A_873 = arith.constant 0 : i32
    %dma_wait3A_874 = arith.constant 0 : i32
    %dma_wait3A_875 = tpu.memref_slice %arg2[%dma_wait3A_873, %dma_wait3A_874] : memref<510000x256xf32, #tpu.memory_space<hbm>> -> memref<510000x256xf32, #tpu.memory_space<hbm>>
    tpu.wait_indirect_dma semaphore(%arg25 : memref<!tpu.dma_semaphore, #tpu.memory_space<semaphore_mem>>) src(%dma_wait3A_875 : memref<510000x256xf32, #tpu.memory_space<hbm>>) dst(%arg13 : memref<32x256xf32, #tpu.memory_space<vmem>>)
    %add3A_876 = arith.constant 128 : i32
    %add3A_877 = arith.addi %mul3A_2, %add3A_876 : i32
    %dma_start3A_878 = arith.constant 0 : i32
    %dma_start3A_879 = tpu.memref_slice %arg5[%add3A_877, %dma_start3A_878] : memref<16384x256xf32, #tpu.memory_space<hbm>> -> memref<32x256xf32, #tpu.memory_space<hbm>>
    %dma_start3A_880 = arith.constant 0 : i32
    %dma_start3A_881 = tpu.memref_slice %arg5[%add3A_877, %dma_start3A_880] : memref<16384x256xf32, #tpu.memory_space<hbm>> -> memref<32x256xf32, #tpu.memory_space<hbm>>
    tpu.enqueue_dma source(%arg13 : memref<32x256xf32, #tpu.memory_space<vmem>>) target(%dma_start3A_881 : memref<32x256xf32, #tpu.memory_space<hbm>>) target_semaphore(%arg37 : memref<!tpu.dma_semaphore, #tpu.memory_space<semaphore_mem>>)
    %dma_wait3A_882 = arith.constant 0 : i32
    %dma_wait3A_883 = tpu.memref_slice %arg5[%add3A_857, %dma_wait3A_882] : memref<16384x256xf32, #tpu.memory_space<hbm>> -> memref<32x256xf32, #tpu.memory_space<hbm>>
    %dma_wait3A_884 = arith.constant 0 : i32
    %dma_wait3A_885 = tpu.memref_slice %arg5[%add3A_857, %dma_wait3A_884] : memref<16384x256xf32, #tpu.memory_space<hbm>> -> memref<32x256xf32, #tpu.memory_space<hbm>>
    tpu.wait_dma2 semaphore(%arg36 : memref<!tpu.dma_semaphore, #tpu.memory_space<semaphore_mem>>) src(%arg12 : memref<32x256xf32, #tpu.memory_space<vmem>>) dst(%dma_wait3A_885 : memref<32x256xf32, #tpu.memory_space<hbm>>)
    %dma_start3A_886 = arith.constant 480 : i32
    %dma_start3A_887 = tpu.memref_slice %arg8[%dma_start3A_886] : memref<512xi32, #tpu.memory_space<vmem>> -> memref<32xi32, #tpu.memory_space<vmem>>
    %dma_start3A_888 = arith.constant 0 : i32
    %dma_start3A_889 = arith.constant 0 : i32
    %dma_start3A_890 = tpu.memref_slice %arg2[%dma_start3A_888, %dma_start3A_889] : memref<510000x256xf32, #tpu.memory_space<hbm>> -> memref<510000x256xf32, #tpu.memory_space<hbm>>
    tpu.enqueue_indirect_dma source(%dma_start3A_890 : memref<510000x256xf32, #tpu.memory_space<hbm>>) target(%arg12 : memref<32x256xf32, #tpu.memory_space<vmem>>) offsets(%dma_start3A_887 : memref<32xi32, #tpu.memory_space<vmem>>) semaphore(%arg24 : memref<!tpu.dma_semaphore, #tpu.memory_space<semaphore_mem>>)
    %dma_wait3A_891 = arith.constant 160 : i32
    %dma_wait3A_892 = tpu.memref_slice %arg8[%dma_wait3A_891] : memref<512xi32, #tpu.memory_space<vmem>> -> memref<32xi32, #tpu.memory_space<vmem>>
    %dma_wait3A_893 = arith.constant 0 : i32
    %dma_wait3A_894 = arith.constant 0 : i32
    %dma_wait3A_895 = tpu.memref_slice %arg2[%dma_wait3A_893, %dma_wait3A_894] : memref<510000x256xf32, #tpu.memory_space<hbm>> -> memref<510000x256xf32, #tpu.memory_space<hbm>>
    tpu.wait_indirect_dma semaphore(%arg26 : memref<!tpu.dma_semaphore, #tpu.memory_space<semaphore_mem>>) src(%dma_wait3A_895 : memref<510000x256xf32, #tpu.memory_space<hbm>>) dst(%arg14 : memref<32x256xf32, #tpu.memory_space<vmem>>)
    %add3A_896 = arith.constant 160 : i32
    %add3A_897 = arith.addi %mul3A_2, %add3A_896 : i32
    %dma_start3A_898 = arith.constant 0 : i32
    %dma_start3A_899 = tpu.memref_slice %arg5[%add3A_897, %dma_start3A_898] : memref<16384x256xf32, #tpu.memory_space<hbm>> -> memref<32x256xf32, #tpu.memory_space<hbm>>
    %dma_start3A_900 = arith.constant 0 : i32
    %dma_start3A_901 = tpu.memref_slice %arg5[%add3A_897, %dma_start3A_900] : memref<16384x256xf32, #tpu.memory_space<hbm>> -> memref<32x256xf32, #tpu.memory_space<hbm>>
    tpu.enqueue_dma source(%arg14 : memref<32x256xf32, #tpu.memory_space<vmem>>) target(%dma_start3A_901 : memref<32x256xf32, #tpu.memory_space<hbm>>) target_semaphore(%arg38 : memref<!tpu.dma_semaphore, #tpu.memory_space<semaphore_mem>>)
    %dma_wait3A_902 = arith.constant 192 : i32
    %dma_wait3A_903 = tpu.memref_slice %arg8[%dma_wait3A_902] : memref<512xi32, #tpu.memory_space<vmem>> -> memref<32xi32, #tpu.memory_space<vmem>>
    %dma_wait3A_904 = arith.constant 0 : i32
    %dma_wait3A_905 = arith.constant 0 : i32
    %dma_wait3A_906 = tpu.memref_slice %arg2[%dma_wait3A_904, %dma_wait3A_905] : memref<510000x256xf32, #tpu.memory_space<hbm>> -> memref<510000x256xf32, #tpu.memory_space<hbm>>
    tpu.wait_indirect_dma semaphore(%arg27 : memref<!tpu.dma_semaphore, #tpu.memory_space<semaphore_mem>>) src(%dma_wait3A_906 : memref<510000x256xf32, #tpu.memory_space<hbm>>) dst(%arg15 : memref<32x256xf32, #tpu.memory_space<vmem>>)
    %add3A_907 = arith.constant 192 : i32
    %add3A_908 = arith.addi %mul3A_2, %add3A_907 : i32
    %dma_start3A_909 = arith.constant 0 : i32
    %dma_start3A_910 = tpu.memref_slice %arg5[%add3A_908, %dma_start3A_909] : memref<16384x256xf32, #tpu.memory_space<hbm>> -> memref<32x256xf32, #tpu.memory_space<hbm>>
    %dma_start3A_911 = arith.constant 0 : i32
    %dma_start3A_912 = tpu.memref_slice %arg5[%add3A_908, %dma_start3A_911] : memref<16384x256xf32, #tpu.memory_space<hbm>> -> memref<32x256xf32, #tpu.memory_space<hbm>>
    tpu.enqueue_dma source(%arg15 : memref<32x256xf32, #tpu.memory_space<vmem>>) target(%dma_start3A_912 : memref<32x256xf32, #tpu.memory_space<hbm>>) target_semaphore(%arg39 : memref<!tpu.dma_semaphore, #tpu.memory_space<semaphore_mem>>)
    %dma_wait3A_913 = arith.constant 224 : i32
    %dma_wait3A_914 = tpu.memref_slice %arg8[%dma_wait3A_913] : memref<512xi32, #tpu.memory_space<vmem>> -> memref<32xi32, #tpu.memory_space<vmem>>
    %dma_wait3A_915 = arith.constant 0 : i32
    %dma_wait3A_916 = arith.constant 0 : i32
    %dma_wait3A_917 = tpu.memref_slice %arg2[%dma_wait3A_915, %dma_wait3A_916] : memref<510000x256xf32, #tpu.memory_space<hbm>> -> memref<510000x256xf32, #tpu.memory_space<hbm>>
    tpu.wait_indirect_dma semaphore(%arg28 : memref<!tpu.dma_semaphore, #tpu.memory_space<semaphore_mem>>) src(%dma_wait3A_917 : memref<510000x256xf32, #tpu.memory_space<hbm>>) dst(%arg16 : memref<32x256xf32, #tpu.memory_space<vmem>>)
    %add3A_918 = arith.constant 224 : i32
    %add3A_919 = arith.addi %mul3A_2, %add3A_918 : i32
    %dma_start3A_920 = arith.constant 0 : i32
    %dma_start3A_921 = tpu.memref_slice %arg5[%add3A_919, %dma_start3A_920] : memref<16384x256xf32, #tpu.memory_space<hbm>> -> memref<32x256xf32, #tpu.memory_space<hbm>>
    %dma_start3A_922 = arith.constant 0 : i32
    %dma_start3A_923 = tpu.memref_slice %arg5[%add3A_919, %dma_start3A_922] : memref<16384x256xf32, #tpu.memory_space<hbm>> -> memref<32x256xf32, #tpu.memory_space<hbm>>
    tpu.enqueue_dma source(%arg16 : memref<32x256xf32, #tpu.memory_space<vmem>>) target(%dma_start3A_923 : memref<32x256xf32, #tpu.memory_space<hbm>>) target_semaphore(%arg40 : memref<!tpu.dma_semaphore, #tpu.memory_space<semaphore_mem>>)
    %dma_wait3A_924 = arith.constant 256 : i32
    %dma_wait3A_925 = tpu.memref_slice %arg8[%dma_wait3A_924] : memref<512xi32, #tpu.memory_space<vmem>> -> memref<32xi32, #tpu.memory_space<vmem>>
    %dma_wait3A_926 = arith.constant 0 : i32
    %dma_wait3A_927 = arith.constant 0 : i32
    %dma_wait3A_928 = tpu.memref_slice %arg2[%dma_wait3A_926, %dma_wait3A_927] : memref<510000x256xf32, #tpu.memory_space<hbm>> -> memref<510000x256xf32, #tpu.memory_space<hbm>>
    tpu.wait_indirect_dma semaphore(%arg29 : memref<!tpu.dma_semaphore, #tpu.memory_space<semaphore_mem>>) src(%dma_wait3A_928 : memref<510000x256xf32, #tpu.memory_space<hbm>>) dst(%arg17 : memref<32x256xf32, #tpu.memory_space<vmem>>)
    %add3A_929 = arith.constant 256 : i32
    %add3A_930 = arith.addi %mul3A_2, %add3A_929 : i32
    %dma_start3A_931 = arith.constant 0 : i32
    %dma_start3A_932 = tpu.memref_slice %arg5[%add3A_930, %dma_start3A_931] : memref<16384x256xf32, #tpu.memory_space<hbm>> -> memref<32x256xf32, #tpu.memory_space<hbm>>
    %dma_start3A_933 = arith.constant 0 : i32
    %dma_start3A_934 = tpu.memref_slice %arg5[%add3A_930, %dma_start3A_933] : memref<16384x256xf32, #tpu.memory_space<hbm>> -> memref<32x256xf32, #tpu.memory_space<hbm>>
    tpu.enqueue_dma source(%arg17 : memref<32x256xf32, #tpu.memory_space<vmem>>) target(%dma_start3A_934 : memref<32x256xf32, #tpu.memory_space<hbm>>) target_semaphore(%arg41 : memref<!tpu.dma_semaphore, #tpu.memory_space<semaphore_mem>>)
    %dma_wait3A_935 = arith.constant 288 : i32
    %dma_wait3A_936 = tpu.memref_slice %arg8[%dma_wait3A_935] : memref<512xi32, #tpu.memory_space<vmem>> -> memref<32xi32, #tpu.memory_space<vmem>>
    %dma_wait3A_937 = arith.constant 0 : i32
    %dma_wait3A_938 = arith.constant 0 : i32
    %dma_wait3A_939 = tpu.memref_slice %arg2[%dma_wait3A_937, %dma_wait3A_938] : memref<510000x256xf32, #tpu.memory_space<hbm>> -> memref<510000x256xf32, #tpu.memory_space<hbm>>
    tpu.wait_indirect_dma semaphore(%arg30 : memref<!tpu.dma_semaphore, #tpu.memory_space<semaphore_mem>>) src(%dma_wait3A_939 : memref<510000x256xf32, #tpu.memory_space<hbm>>) dst(%arg18 : memref<32x256xf32, #tpu.memory_space<vmem>>)
    %add3A_940 = arith.constant 288 : i32
    %add3A_941 = arith.addi %mul3A_2, %add3A_940 : i32
    %dma_start3A_942 = arith.constant 0 : i32
    %dma_start3A_943 = tpu.memref_slice %arg5[%add3A_941, %dma_start3A_942] : memref<16384x256xf32, #tpu.memory_space<hbm>> -> memref<32x256xf32, #tpu.memory_space<hbm>>
    %dma_start3A_944 = arith.constant 0 : i32
    %dma_start3A_945 = tpu.memref_slice %arg5[%add3A_941, %dma_start3A_944] : memref<16384x256xf32, #tpu.memory_space<hbm>> -> memref<32x256xf32, #tpu.memory_space<hbm>>
    tpu.enqueue_dma source(%arg18 : memref<32x256xf32, #tpu.memory_space<vmem>>) target(%dma_start3A_945 : memref<32x256xf32, #tpu.memory_space<hbm>>) target_semaphore(%arg42 : memref<!tpu.dma_semaphore, #tpu.memory_space<semaphore_mem>>)
    %dma_wait3A_946 = arith.constant 320 : i32
    %dma_wait3A_947 = tpu.memref_slice %arg8[%dma_wait3A_946] : memref<512xi32, #tpu.memory_space<vmem>> -> memref<32xi32, #tpu.memory_space<vmem>>
    %dma_wait3A_948 = arith.constant 0 : i32
    %dma_wait3A_949 = arith.constant 0 : i32
    %dma_wait3A_950 = tpu.memref_slice %arg2[%dma_wait3A_948, %dma_wait3A_949] : memref<510000x256xf32, #tpu.memory_space<hbm>> -> memref<510000x256xf32, #tpu.memory_space<hbm>>
    tpu.wait_indirect_dma semaphore(%arg31 : memref<!tpu.dma_semaphore, #tpu.memory_space<semaphore_mem>>) src(%dma_wait3A_950 : memref<510000x256xf32, #tpu.memory_space<hbm>>) dst(%arg19 : memref<32x256xf32, #tpu.memory_space<vmem>>)
    %add3A_951 = arith.constant 320 : i32
    %add3A_952 = arith.addi %mul3A_2, %add3A_951 : i32
    %dma_start3A_953 = arith.constant 0 : i32
    %dma_start3A_954 = tpu.memref_slice %arg5[%add3A_952, %dma_start3A_953] : memref<16384x256xf32, #tpu.memory_space<hbm>> -> memref<32x256xf32, #tpu.memory_space<hbm>>
    %dma_start3A_955 = arith.constant 0 : i32
    %dma_start3A_956 = tpu.memref_slice %arg5[%add3A_952, %dma_start3A_955] : memref<16384x256xf32, #tpu.memory_space<hbm>> -> memref<32x256xf32, #tpu.memory_space<hbm>>
    tpu.enqueue_dma source(%arg19 : memref<32x256xf32, #tpu.memory_space<vmem>>) target(%dma_start3A_956 : memref<32x256xf32, #tpu.memory_space<hbm>>) target_semaphore(%arg43 : memref<!tpu.dma_semaphore, #tpu.memory_space<semaphore_mem>>)
    %dma_wait3A_957 = arith.constant 352 : i32
    %dma_wait3A_958 = tpu.memref_slice %arg8[%dma_wait3A_957] : memref<512xi32, #tpu.memory_space<vmem>> -> memref<32xi32, #tpu.memory_space<vmem>>
    %dma_wait3A_959 = arith.constant 0 : i32
    %dma_wait3A_960 = arith.constant 0 : i32
    %dma_wait3A_961 = tpu.memref_slice %arg2[%dma_wait3A_959, %dma_wait3A_960] : memref<510000x256xf32, #tpu.memory_space<hbm>> -> memref<510000x256xf32, #tpu.memory_space<hbm>>
    tpu.wait_indirect_dma semaphore(%arg32 : memref<!tpu.dma_semaphore, #tpu.memory_space<semaphore_mem>>) src(%dma_wait3A_961 : memref<510000x256xf32, #tpu.memory_space<hbm>>) dst(%arg20 : memref<32x256xf32, #tpu.memory_space<vmem>>)
    %add3A_962 = arith.constant 352 : i32
    %add3A_963 = arith.addi %mul3A_2, %add3A_962 : i32
    %dma_start3A_964 = arith.constant 0 : i32
    %dma_start3A_965 = tpu.memref_slice %arg5[%add3A_963, %dma_start3A_964] : memref<16384x256xf32, #tpu.memory_space<hbm>> -> memref<32x256xf32, #tpu.memory_space<hbm>>
    %dma_start3A_966 = arith.constant 0 : i32
    %dma_start3A_967 = tpu.memref_slice %arg5[%add3A_963, %dma_start3A_966] : memref<16384x256xf32, #tpu.memory_space<hbm>> -> memref<32x256xf32, #tpu.memory_space<hbm>>
    tpu.enqueue_dma source(%arg20 : memref<32x256xf32, #tpu.memory_space<vmem>>) target(%dma_start3A_967 : memref<32x256xf32, #tpu.memory_space<hbm>>) target_semaphore(%arg44 : memref<!tpu.dma_semaphore, #tpu.memory_space<semaphore_mem>>)
    %dma_wait3A_968 = arith.constant 384 : i32
    %dma_wait3A_969 = tpu.memref_slice %arg8[%dma_wait3A_968] : memref<512xi32, #tpu.memory_space<vmem>> -> memref<32xi32, #tpu.memory_space<vmem>>
    %dma_wait3A_970 = arith.constant 0 : i32
    %dma_wait3A_971 = arith.constant 0 : i32
    %dma_wait3A_972 = tpu.memref_slice %arg2[%dma_wait3A_970, %dma_wait3A_971] : memref<510000x256xf32, #tpu.memory_space<hbm>> -> memref<510000x256xf32, #tpu.memory_space<hbm>>
    tpu.wait_indirect_dma semaphore(%arg21 : memref<!tpu.dma_semaphore, #tpu.memory_space<semaphore_mem>>) src(%dma_wait3A_972 : memref<510000x256xf32, #tpu.memory_space<hbm>>) dst(%arg9 : memref<32x256xf32, #tpu.memory_space<vmem>>)
    %add3A_973 = arith.constant 384 : i32
    %add3A_974 = arith.addi %mul3A_2, %add3A_973 : i32
    %dma_start3A_975 = arith.constant 0 : i32
    %dma_start3A_976 = tpu.memref_slice %arg5[%add3A_974, %dma_start3A_975] : memref<16384x256xf32, #tpu.memory_space<hbm>> -> memref<32x256xf32, #tpu.memory_space<hbm>>
    %dma_start3A_977 = arith.constant 0 : i32
    %dma_start3A_978 = tpu.memref_slice %arg5[%add3A_974, %dma_start3A_977] : memref<16384x256xf32, #tpu.memory_space<hbm>> -> memref<32x256xf32, #tpu.memory_space<hbm>>
    tpu.enqueue_dma source(%arg9 : memref<32x256xf32, #tpu.memory_space<vmem>>) target(%dma_start3A_978 : memref<32x256xf32, #tpu.memory_space<hbm>>) target_semaphore(%arg33 : memref<!tpu.dma_semaphore, #tpu.memory_space<semaphore_mem>>)
    %dma_wait3A_979 = arith.constant 416 : i32
    %dma_wait3A_980 = tpu.memref_slice %arg8[%dma_wait3A_979] : memref<512xi32, #tpu.memory_space<vmem>> -> memref<32xi32, #tpu.memory_space<vmem>>
    %dma_wait3A_981 = arith.constant 0 : i32
    %dma_wait3A_982 = arith.constant 0 : i32
    %dma_wait3A_983 = tpu.memref_slice %arg2[%dma_wait3A_981, %dma_wait3A_982] : memref<510000x256xf32, #tpu.memory_space<hbm>> -> memref<510000x256xf32, #tpu.memory_space<hbm>>
    tpu.wait_indirect_dma semaphore(%arg22 : memref<!tpu.dma_semaphore, #tpu.memory_space<semaphore_mem>>) src(%dma_wait3A_983 : memref<510000x256xf32, #tpu.memory_space<hbm>>) dst(%arg10 : memref<32x256xf32, #tpu.memory_space<vmem>>)
    %add3A_984 = arith.constant 416 : i32
    %add3A_985 = arith.addi %mul3A_2, %add3A_984 : i32
    %dma_start3A_986 = arith.constant 0 : i32
    %dma_start3A_987 = tpu.memref_slice %arg5[%add3A_985, %dma_start3A_986] : memref<16384x256xf32, #tpu.memory_space<hbm>> -> memref<32x256xf32, #tpu.memory_space<hbm>>
    %dma_start3A_988 = arith.constant 0 : i32
    %dma_start3A_989 = tpu.memref_slice %arg5[%add3A_985, %dma_start3A_988] : memref<16384x256xf32, #tpu.memory_space<hbm>> -> memref<32x256xf32, #tpu.memory_space<hbm>>
    tpu.enqueue_dma source(%arg10 : memref<32x256xf32, #tpu.memory_space<vmem>>) target(%dma_start3A_989 : memref<32x256xf32, #tpu.memory_space<hbm>>) target_semaphore(%arg34 : memref<!tpu.dma_semaphore, #tpu.memory_space<semaphore_mem>>)
    %dma_wait3A_990 = arith.constant 448 : i32
    %dma_wait3A_991 = tpu.memref_slice %arg8[%dma_wait3A_990] : memref<512xi32, #tpu.memory_space<vmem>> -> memref<32xi32, #tpu.memory_space<vmem>>
    %dma_wait3A_992 = arith.constant 0 : i32
    %dma_wait3A_993 = arith.constant 0 : i32
    %dma_wait3A_994 = tpu.memref_slice %arg2[%dma_wait3A_992, %dma_wait3A_993] : memref<510000x256xf32, #tpu.memory_space<hbm>> -> memref<510000x256xf32, #tpu.memory_space<hbm>>
    tpu.wait_indirect_dma semaphore(%arg23 : memref<!tpu.dma_semaphore, #tpu.memory_space<semaphore_mem>>) src(%dma_wait3A_994 : memref<510000x256xf32, #tpu.memory_space<hbm>>) dst(%arg11 : memref<32x256xf32, #tpu.memory_space<vmem>>)
    %add3A_995 = arith.constant 448 : i32
    %add3A_996 = arith.addi %mul3A_2, %add3A_995 : i32
    %dma_start3A_997 = arith.constant 0 : i32
    %dma_start3A_998 = tpu.memref_slice %arg5[%add3A_996, %dma_start3A_997] : memref<16384x256xf32, #tpu.memory_space<hbm>> -> memref<32x256xf32, #tpu.memory_space<hbm>>
    %dma_start3A_999 = arith.constant 0 : i32
    %dma_start3A_1000 = tpu.memref_slice %arg5[%add3A_996, %dma_start3A_999] : memref<16384x256xf32, #tpu.memory_space<hbm>> -> memref<32x256xf32, #tpu.memory_space<hbm>>
    tpu.enqueue_dma source(%arg11 : memref<32x256xf32, #tpu.memory_space<vmem>>) target(%dma_start3A_1000 : memref<32x256xf32, #tpu.memory_space<hbm>>) target_semaphore(%arg35 : memref<!tpu.dma_semaphore, #tpu.memory_space<semaphore_mem>>)
    %dma_wait3A_1001 = arith.constant 480 : i32
    %dma_wait3A_1002 = tpu.memref_slice %arg8[%dma_wait3A_1001] : memref<512xi32, #tpu.memory_space<vmem>> -> memref<32xi32, #tpu.memory_space<vmem>>
    %dma_wait3A_1003 = arith.constant 0 : i32
    %dma_wait3A_1004 = arith.constant 0 : i32
    %dma_wait3A_1005 = tpu.memref_slice %arg2[%dma_wait3A_1003, %dma_wait3A_1004] : memref<510000x256xf32, #tpu.memory_space<hbm>> -> memref<510000x256xf32, #tpu.memory_space<hbm>>
    tpu.wait_indirect_dma semaphore(%arg24 : memref<!tpu.dma_semaphore, #tpu.memory_space<semaphore_mem>>) src(%dma_wait3A_1005 : memref<510000x256xf32, #tpu.memory_space<hbm>>) dst(%arg12 : memref<32x256xf32, #tpu.memory_space<vmem>>)
    %add3A_1006 = arith.constant 480 : i32
    %add3A_1007 = arith.addi %mul3A_2, %add3A_1006 : i32
    %dma_start3A_1008 = arith.constant 0 : i32
    %dma_start3A_1009 = tpu.memref_slice %arg5[%add3A_1007, %dma_start3A_1008] : memref<16384x256xf32, #tpu.memory_space<hbm>> -> memref<32x256xf32, #tpu.memory_space<hbm>>
    %dma_start3A_1010 = arith.constant 0 : i32
    %dma_start3A_1011 = tpu.memref_slice %arg5[%add3A_1007, %dma_start3A_1010] : memref<16384x256xf32, #tpu.memory_space<hbm>> -> memref<32x256xf32, #tpu.memory_space<hbm>>
    tpu.enqueue_dma source(%arg12 : memref<32x256xf32, #tpu.memory_space<vmem>>) target(%dma_start3A_1011 : memref<32x256xf32, #tpu.memory_space<hbm>>) target_semaphore(%arg36 : memref<!tpu.dma_semaphore, #tpu.memory_space<semaphore_mem>>)
    %dma_wait3A_1012 = arith.constant 0 : i32
    %dma_wait3A_1013 = tpu.memref_slice %arg5[%add3A_877, %dma_wait3A_1012] : memref<16384x256xf32, #tpu.memory_space<hbm>> -> memref<32x256xf32, #tpu.memory_space<hbm>>
    %dma_wait3A_1014 = arith.constant 0 : i32
    %dma_wait3A_1015 = tpu.memref_slice %arg5[%add3A_877, %dma_wait3A_1014] : memref<16384x256xf32, #tpu.memory_space<hbm>> -> memref<32x256xf32, #tpu.memory_space<hbm>>
    tpu.wait_dma2 semaphore(%arg37 : memref<!tpu.dma_semaphore, #tpu.memory_space<semaphore_mem>>) src(%arg13 : memref<32x256xf32, #tpu.memory_space<vmem>>) dst(%dma_wait3A_1015 : memref<32x256xf32, #tpu.memory_space<hbm>>)
    %dma_wait3A_1016 = arith.constant 0 : i32
    %dma_wait3A_1017 = tpu.memref_slice %arg5[%add3A_897, %dma_wait3A_1016] : memref<16384x256xf32, #tpu.memory_space<hbm>> -> memref<32x256xf32, #tpu.memory_space<hbm>>
    %dma_wait3A_1018 = arith.constant 0 : i32
    %dma_wait3A_1019 = tpu.memref_slice %arg5[%add3A_897, %dma_wait3A_1018] : memref<16384x256xf32, #tpu.memory_space<hbm>> -> memref<32x256xf32, #tpu.memory_space<hbm>>
    tpu.wait_dma2 semaphore(%arg38 : memref<!tpu.dma_semaphore, #tpu.memory_space<semaphore_mem>>) src(%arg14 : memref<32x256xf32, #tpu.memory_space<vmem>>) dst(%dma_wait3A_1019 : memref<32x256xf32, #tpu.memory_space<hbm>>)
    %dma_wait3A_1020 = arith.constant 0 : i32
    %dma_wait3A_1021 = tpu.memref_slice %arg5[%add3A_908, %dma_wait3A_1020] : memref<16384x256xf32, #tpu.memory_space<hbm>> -> memref<32x256xf32, #tpu.memory_space<hbm>>
    %dma_wait3A_1022 = arith.constant 0 : i32
    %dma_wait3A_1023 = tpu.memref_slice %arg5[%add3A_908, %dma_wait3A_1022] : memref<16384x256xf32, #tpu.memory_space<hbm>> -> memref<32x256xf32, #tpu.memory_space<hbm>>
    tpu.wait_dma2 semaphore(%arg39 : memref<!tpu.dma_semaphore, #tpu.memory_space<semaphore_mem>>) src(%arg15 : memref<32x256xf32, #tpu.memory_space<vmem>>) dst(%dma_wait3A_1023 : memref<32x256xf32, #tpu.memory_space<hbm>>)
    %dma_wait3A_1024 = arith.constant 0 : i32
    %dma_wait3A_1025 = tpu.memref_slice %arg5[%add3A_919, %dma_wait3A_1024] : memref<16384x256xf32, #tpu.memory_space<hbm>> -> memref<32x256xf32, #tpu.memory_space<hbm>>
    %dma_wait3A_1026 = arith.constant 0 : i32
    %dma_wait3A_1027 = tpu.memref_slice %arg5[%add3A_919, %dma_wait3A_1026] : memref<16384x256xf32, #tpu.memory_space<hbm>> -> memref<32x256xf32, #tpu.memory_space<hbm>>
    tpu.wait_dma2 semaphore(%arg40 : memref<!tpu.dma_semaphore, #tpu.memory_space<semaphore_mem>>) src(%arg16 : memref<32x256xf32, #tpu.memory_space<vmem>>) dst(%dma_wait3A_1027 : memref<32x256xf32, #tpu.memory_space<hbm>>)
    %dma_wait3A_1028 = arith.constant 0 : i32
    %dma_wait3A_1029 = tpu.memref_slice %arg5[%add3A_930, %dma_wait3A_1028] : memref<16384x256xf32, #tpu.memory_space<hbm>> -> memref<32x256xf32, #tpu.memory_space<hbm>>
    %dma_wait3A_1030 = arith.constant 0 : i32
    %dma_wait3A_1031 = tpu.memref_slice %arg5[%add3A_930, %dma_wait3A_1030] : memref<16384x256xf32, #tpu.memory_space<hbm>> -> memref<32x256xf32, #tpu.memory_space<hbm>>
    tpu.wait_dma2 semaphore(%arg41 : memref<!tpu.dma_semaphore, #tpu.memory_space<semaphore_mem>>) src(%arg17 : memref<32x256xf32, #tpu.memory_space<vmem>>) dst(%dma_wait3A_1031 : memref<32x256xf32, #tpu.memory_space<hbm>>)
    %dma_wait3A_1032 = arith.constant 0 : i32
    %dma_wait3A_1033 = tpu.memref_slice %arg5[%add3A_941, %dma_wait3A_1032] : memref<16384x256xf32, #tpu.memory_space<hbm>> -> memref<32x256xf32, #tpu.memory_space<hbm>>
    %dma_wait3A_1034 = arith.constant 0 : i32
    %dma_wait3A_1035 = tpu.memref_slice %arg5[%add3A_941, %dma_wait3A_1034] : memref<16384x256xf32, #tpu.memory_space<hbm>> -> memref<32x256xf32, #tpu.memory_space<hbm>>
    tpu.wait_dma2 semaphore(%arg42 : memref<!tpu.dma_semaphore, #tpu.memory_space<semaphore_mem>>) src(%arg18 : memref<32x256xf32, #tpu.memory_space<vmem>>) dst(%dma_wait3A_1035 : memref<32x256xf32, #tpu.memory_space<hbm>>)
    %dma_wait3A_1036 = arith.constant 0 : i32
    %dma_wait3A_1037 = tpu.memref_slice %arg5[%add3A_952, %dma_wait3A_1036] : memref<16384x256xf32, #tpu.memory_space<hbm>> -> memref<32x256xf32, #tpu.memory_space<hbm>>
    %dma_wait3A_1038 = arith.constant 0 : i32
    %dma_wait3A_1039 = tpu.memref_slice %arg5[%add3A_952, %dma_wait3A_1038] : memref<16384x256xf32, #tpu.memory_space<hbm>> -> memref<32x256xf32, #tpu.memory_space<hbm>>
    tpu.wait_dma2 semaphore(%arg43 : memref<!tpu.dma_semaphore, #tpu.memory_space<semaphore_mem>>) src(%arg19 : memref<32x256xf32, #tpu.memory_space<vmem>>) dst(%dma_wait3A_1039 : memref<32x256xf32, #tpu.memory_space<hbm>>)
    %dma_wait3A_1040 = arith.constant 0 : i32
    %dma_wait3A_1041 = tpu.memref_slice %arg5[%add3A_963, %dma_wait3A_1040] : memref<16384x256xf32, #tpu.memory_space<hbm>> -> memref<32x256xf32, #tpu.memory_space<hbm>>
    %dma_wait3A_1042 = arith.constant 0 : i32
    %dma_wait3A_1043 = tpu.memref_slice %arg5[%add3A_963, %dma_wait3A_1042] : memref<16384x256xf32, #tpu.memory_space<hbm>> -> memref<32x256xf32, #tpu.memory_space<hbm>>
    tpu.wait_dma2 semaphore(%arg44 : memref<!tpu.dma_semaphore, #tpu.memory_space<semaphore_mem>>) src(%arg20 : memref<32x256xf32, #tpu.memory_space<vmem>>) dst(%dma_wait3A_1043 : memref<32x256xf32, #tpu.memory_space<hbm>>)
    %dma_wait3A_1044 = arith.constant 0 : i32
    %dma_wait3A_1045 = tpu.memref_slice %arg5[%add3A_974, %dma_wait3A_1044] : memref<16384x256xf32, #tpu.memory_space<hbm>> -> memref<32x256xf32, #tpu.memory_space<hbm>>
    %dma_wait3A_1046 = arith.constant 0 : i32
    %dma_wait3A_1047 = tpu.memref_slice %arg5[%add3A_974, %dma_wait3A_1046] : memref<16384x256xf32, #tpu.memory_space<hbm>> -> memref<32x256xf32, #tpu.memory_space<hbm>>
    tpu.wait_dma2 semaphore(%arg33 : memref<!tpu.dma_semaphore, #tpu.memory_space<semaphore_mem>>) src(%arg9 : memref<32x256xf32, #tpu.memory_space<vmem>>) dst(%dma_wait3A_1047 : memref<32x256xf32, #tpu.memory_space<hbm>>)
    %dma_wait3A_1048 = arith.constant 0 : i32
    %dma_wait3A_1049 = tpu.memref_slice %arg5[%add3A_985, %dma_wait3A_1048] : memref<16384x256xf32, #tpu.memory_space<hbm>> -> memref<32x256xf32, #tpu.memory_space<hbm>>
    %dma_wait3A_1050 = arith.constant 0 : i32
    %dma_wait3A_1051 = tpu.memref_slice %arg5[%add3A_985, %dma_wait3A_1050] : memref<16384x256xf32, #tpu.memory_space<hbm>> -> memref<32x256xf32, #tpu.memory_space<hbm>>
    tpu.wait_dma2 semaphore(%arg34 : memref<!tpu.dma_semaphore, #tpu.memory_space<semaphore_mem>>) src(%arg10 : memref<32x256xf32, #tpu.memory_space<vmem>>) dst(%dma_wait3A_1051 : memref<32x256xf32, #tpu.memory_space<hbm>>)
    %dma_wait3A_1052 = arith.constant 0 : i32
    %dma_wait3A_1053 = tpu.memref_slice %arg5[%add3A_996, %dma_wait3A_1052] : memref<16384x256xf32, #tpu.memory_space<hbm>> -> memref<32x256xf32, #tpu.memory_space<hbm>>
    %dma_wait3A_1054 = arith.constant 0 : i32
    %dma_wait3A_1055 = tpu.memref_slice %arg5[%add3A_996, %dma_wait3A_1054] : memref<16384x256xf32, #tpu.memory_space<hbm>> -> memref<32x256xf32, #tpu.memory_space<hbm>>
    tpu.wait_dma2 semaphore(%arg35 : memref<!tpu.dma_semaphore, #tpu.memory_space<semaphore_mem>>) src(%arg11 : memref<32x256xf32, #tpu.memory_space<vmem>>) dst(%dma_wait3A_1055 : memref<32x256xf32, #tpu.memory_space<hbm>>)
    %dma_wait3A_1056 = arith.constant 0 : i32
    %dma_wait3A_1057 = tpu.memref_slice %arg5[%add3A_1007, %dma_wait3A_1056] : memref<16384x256xf32, #tpu.memory_space<hbm>> -> memref<32x256xf32, #tpu.memory_space<hbm>>
    %dma_wait3A_1058 = arith.constant 0 : i32
    %dma_wait3A_1059 = tpu.memref_slice %arg5[%add3A_1007, %dma_wait3A_1058] : memref<16384x256xf32, #tpu.memory_space<hbm>> -> memref<32x256xf32, #tpu.memory_space<hbm>>
    tpu.wait_dma2 semaphore(%arg36 : memref<!tpu.dma_semaphore, #tpu.memory_space<semaphore_mem>>) src(%arg12 : memref<32x256xf32, #tpu.memory_space<vmem>>) dst(%dma_wait3A_1059 : memref<32x256xf32, #tpu.memory_space<hbm>>)
    return
  }
}

</mosaic_0001>

<sc_bundles>
// kernel: kernel.3.cloned.1.call-start
scs
__scs_entry_jumppad:
0x0: {  	(pc) =	sbr.rel $0x88, $3  }
0x1: {  	(tag) =	ssettag $0x0;
	lr =	simm.s32 $0x1  }
0x2: {  	[smem:$0x3F9E] =	sst lr;
	_ =	strace $0xD0000000  }
0x3: {  	_ = 	snop  }
0x4: {  	_ = 	snop  }
0x5: {  	_ = 	snop  }
0x6: {  	_ = 	snop  }
0x7: {  	_ = 	snop  }
__scs_overlays_trampoline_lowered:
0x8: {  	[smem:$0x3FAD] =	sst s0  }
0x9: {  	[smem:$0x3FAE] =	sst s1  }
0xa: {  	[smem:$0x3FAF] =	sst s2  }
0xb: {  	[smem:$0x3FB0] =	sst s3  }
0xc: {  	[smem:$0x3FB1] =	sst s4  }
0xd: {  	[smem:$0x3FB2] =	sst s5  }
0xe: {  	[smem:$0x3FB3] =	sst s6  }
0xf: {  	[smem:$0x3FB4] =	sst s7  }
0x10: {  	[smem:$0x3FB5] =	sst s8  }
0x11: {  	[smem:$0x3FB6] =	sst s9;
	s0 =	simm.s32 @!p0 $0x0  }
0x12: {  	s1 =	sld [smem:$0x3F9C];
	s0 =	simm.s32 @p0 $0x1  }
0x13: {  	[smem:$0x3FB7] =	sst s0;
	s0 =	simm.s32 @!p1 $0x0  }
0x14: {  	s2 =	sld [smem:$0x3F9B];
	s0 =	simm.s32 @p1 $0x1  }
0x15: {  	[smem:$0x3FB8] =	sst s0;
	s0 =	simm.s32 @!p2 $0x0  }
0x16: {  	s3 =	sld [smem:$0x3FDB];
	s0 =	simm.s32 @p2 $0x1  }
0x17: {  	s4 =	simm.s32 $0x1BF5;
	[smem:$0x3FBA] =	sst s0  }
0x18: {  	s0 =	sld [smem:$0x3F9D];
	_ =	swait.ge [sflag:s4], $0x0  }
0x19: {  	s7 =	sld [smem:$0x3F9E]  }
0x1a: {  	s8 =	sadd.s32 $0xFFFFE003, lr  }
0x1b: {  	s9 =	sadd.s32 $0xFFFFFEF7, lr;
	s5 =	simm.s32 $0xFFFFFFFF;
	p2 =	slt.u32 s8, $0xFFFFF086  }
0x1c: {  	p1 =	slt.u32 s9, $0xF7A;
	s5 =	simm.s32 @!p2 $0x0  }
0x1d: {  	s5 =	simm.s32 @p1 $0x1;
	p0 =	seq.s32 s7, s2  }
0x1e: {  	s7 =	smul.u32 @!p0 $0xF7A, s2;
	p2 =	seq.s32 @!p0 s5, $0x0  }
0x1f: {  	s9 =	smul.u32 $0xF7A, s1;
	s8 =	simm.s32 @!p0 $0x1BF5;
	p2 =	por !p2, p0  }
0x20: {  	[sflag:s8] =	ssyncset.s32 @!p0 $0xFFFFF086;
	s6 =	sadd.s32 @!p0 s3, s7;
	s7 =	simm.s32 @!p0 $0x108  }
0x21: {  	s3 =	sadd.s32 s3, s9;
	s6 =	sadd.s32 @!p0 $0x88, s6;
	s7 =	simm.s32 @p2 $0x1082  }
0x22: {  	[simem:s7], [sflag:s8] =	dma.local @!p0 [hbm:s6], $0xF7A  }
0x23: {  	s9 =	sor.u32 $0xD0000000, s2;
	s6 =	simm.s32 $0x108;
	_ =	swait.ge @!p0 [sflag:s8], $0x0  }
0x24: {  	s3 =	sadd.s32 $0x88, s3;
	s6 =	simm.s32 @!p1 $0x1082;
	[sflag:s4] =	ssyncset.s32 $0xFFFFF086  }
0x25: {  	[simem:s6], [sflag:s4] =	dma.local [hbm:s3], $0xF7A  }
0x26: {  	[smem:$0x3F9E] =	sst s1;
	(tag) =	ssettag s2;
	_ =	strace s9  }
0x27: {  	s1 =	sld [smem:$0x3FAE]  }
0x28: {  	s2 =	sld [smem:$0x3FAF]  }
0x29: {  	s4 =	sld [smem:$0x3FB1]  }
0x2a: {  	p0 =	seq.s32 s5, $0x0;
	s5 =	sld [smem:$0x3FB2]  }
0x2b: {  	s6 =	sld [smem:$0x3FB3]  }
0x2c: {  	s7 =	sld [smem:$0x3FB4]  }
0x2d: {  	s3 =	simm.s32 $0x108;
	s8 =	sld [smem:$0x3FB5]  }
0x2e: {  	s3 =	simm.s32 @!p0 $0x1082;
	s9 =	sld [smem:$0x3FB6]  }
0x2f: {  	lr =	sadd.s32 s0, s3;
	s0 =	sld [smem:$0x3FAD]  }
0x30: {  	s3 =	sld [smem:$0x3FB0]  }
0x31: {  	[smem:$0x3FB9] =	sst s10  }
0x32: {  	s10 =	sld [smem:$0x3FB7];
	_ =	sdelay $0x3  }
0x33: {  	p0 =	seq.s32 s10, $0x1;
	s10 =	sld [smem:$0x3FB9];
	_ =	sdelay $0x3  }
0x34: {  	[smem:$0x3FB9] =	sst s10  }
0x35: {  	s10 =	sld [smem:$0x3FB8];
	_ =	sdelay $0x3  }
0x36: {  	p1 =	seq.s32 s10, $0x1;
	s10 =	sld [smem:$0x3FB9];
	_ =	sdelay $0x3  }
0x37: {  	[smem:$0x3FB9] =	sst s10  }
0x38: {  	s10 =	sld [smem:$0x3FBA]  }
0x39: {  	_ = 	snop;
	(pc) =	sbr.ind lr, $3  }
0x3a: {  	_ = 	snop  }
0x3b: {  	_ = 	snop  }
0x3c: {  	p2 =	seq.s32 s10, $0x1;
	s10 =	sld [smem:$0x3FB9]  }
0x3d: {  	_ =	shalt  }
0x3e: {  	_ =	shalt  }
0x3f: {  	_ =	shalt  }
0x40: {  	_ =	shalt  }
0x41: {  	_ =	shalt  }
0x42: {  	_ =	shalt  }
0x43: {  	_ =	shalt  }
0x44: {  	_ =	shalt  }
0x45: {  	_ =	shalt  }
0x46: {  	_ =	shalt  }
0x47: {  	_ =	shalt  }
0x48: {  	_ =	shalt  }
0x49: {  	_ =	shalt  }
0x4a: {  	_ =	shalt  }
0x4b: {  	_ =	shalt  }
0x4c: {  	_ =	shalt  }
0x4d: {  	_ =	shalt  }
0x4e: {  	_ =	shalt  }
0x4f: {  	_ =	shalt  }
0x50: {  	_ =	shalt  }
0x51: {  	_ =	shalt  }
0x52: {  	_ =	shalt  }
0x53: {  	_ =	shalt  }
0x54: {  	_ =	shalt  }
0x55: {  	_ =	shalt  }
0x56: {  	_ =	shalt  }
0x57: {  	_ =	shalt  }
0x58: {  	_ =	shalt  }
0x59: {  	_ =	shalt  }
0x5a: {  	_ =	shalt  }
0x5b: {  	_ =	shalt  }
0x5c: {  	_ =	shalt  }
0x5d: {  	_ =	shalt  }
0x5e: {  	_ =	shalt  }
0x5f: {  	_ =	shalt  }
0x60: {  	_ =	shalt  }
0x61: {  	_ =	shalt  }
0x62: {  	_ =	shalt  }
0x63: {  	_ =	shalt  }
0x64: {  	_ =	shalt  }
0x65: {  	_ =	shalt  }
0x66: {  	_ =	shalt  }
0x67: {  	_ =	shalt  }
0x68: {  	_ =	shalt  }
0x69: {  	_ =	shalt  }
0x6a: {  	_ =	shalt  }
0x6b: {  	_ =	shalt  }
0x6c: {  	_ =	shalt  }
0x6d: {  	_ =	shalt  }
0x6e: {  	_ =	shalt  }
0x6f: {  	_ =	shalt  }
0x70: {  	_ =	shalt  }
0x71: {  	_ =	shalt  }
0x72: {  	_ =	shalt  }
0x73: {  	_ =	shalt  }
0x74: {  	_ =	shalt  }
0x75: {  	_ =	shalt  }
0x76: {  	_ =	shalt  }
0x77: {  	_ =	shalt  }
0x78: {  	_ =	shalt  }
0x79: {  	_ =	shalt  }
0x7a: {  	_ =	shalt  }
0x7b: {  	_ =	shalt  }
0x7c: {  	_ =	shalt  }
0x7d: {  	_ =	shalt  }
0x7e: {  	_ =	shalt  }
0x7f: {  	_ =	shalt  }
0x80: {  	_ =	shalt  }
0x81: {  	_ =	shalt  }
0x82: {  	_ =	shalt  }
0x83: {  	_ =	shalt  }
0x84: {  	_ =	shalt  }
0x85: {  	_ =	shalt  }
0x86: {  	_ =	shalt  }
0x87: {  	_ =	shalt  }
.Lfunc_end0:
.L_simem_size_0:
called_computation_lowered:
.L_overlay_start_0:
0x88: {  	s2 =	sld [smem:$0x3FD9]  }
0x89: {  	s3 =	sld [smem:$0x3FFE];
	_ =	sdelay $0x1  }
0x8a: {  	s1 =	srdreg.scid  }
0x8b: {  	s0 =	sand.u32 $0x1, s1  }
0x8c: {  	s18 =	sshll.u32 s0, $0xA;
	s2 =	sadd.s32 s3, s2  }
0x8d: {  	s2 =	sadd.s32 s2, s18  }
0x8e: {  	[smem:$0x3FC5] =	sst s2  }
0x8f: {  	_ = 	snop  }
0x90: {  	s2 =	sld [smem:$0x3FC9]  }
0x91: {  	s19 =	sld [smem:$0x3FC8]  }
0x92: {  	s4 =	sld [smem:$0x3FC7]  }
0x93: {  	s5 =	sld [smem:$0x3FD0];
	(tm) =	ssettm $0x1  }
0x94: {  	s6 =	sld [smem:$0x3FFB];
	_ =	sdelay $0x3  }
0x95: {  	_ =	strace s6  }
0x96: {  	s6 =	sld [smem:$0x3FFC];
	_ =	sdelay $0x3  }
0x97: {  	_ =	strace s6  }
0x98: {  	s6 =	sld [smem:$0x3FFD];
	_ =	sdelay $0x3  }
0x99: {  	_ =	strace s6  }
0x9a: {  	_ =	strace $0x8FFFFFFF  }
0x9b: {  	s20 =	sld [smem:$0x3FDB];
	_ =	sdelay $0x1  }
0x9c: {  	s7 =	simm.s32 $_scs_section_size  }
0x9d: {  	s8 =	simm.s32 $_size__tile_overlayer_lowered;
	s9 =	simm.s32 $_tile_overlayer_lowered  }
0x9e: {  	s23 =	simm.s32 $0x1BFF;
	s22 =	sshll.u32 s9, $0x1;
	s6 =	sadd.s32 s7, s20  }
0x9f: {  	s10 =	simm.s32 $0x0;
	s21 =	sshll.u32 s8, $0x1;
	s8 =	sadd.s32 s22, s6  }
0xa0: {  	[timem:s10], [sflag:s23] =	dma.local [hbm:s8], s21  }
0xa1: {  	_ =	swait.ge [sflag:s23], s21  }
0xa2: {  	s7 =	ssub.s32 $0x0, s21;
	[sflag:s23] =	ssyncset.done $0x0  }
0xa3: {  	[sflag:s23] =	ssyncadd.s32 s7;
	_ =	sdelay $0x1  }
0xa4: {  	s24 =	simm.s32 $0x1B8B  }
0xa5: {  	_ =	swait.ge [sflag:s24], $0x1  }
0xa6: {  	[sflag:s24] =	ssyncset.done $0x0  }
0xa7: {  	s25 =	simm.s32 $0x1B8E;
	[sflag:s24] =	ssyncadd.s32 $0xFFFFFFFF  }
0xa8: {  	s26 =	simm.s32 $execute0_lowered;
	[smem:$0x3FD2] =	sst s25  }
0xa9: {  	s7 =	sshll.u32 s26, $0x1;
	_ =	strace $0x80000046;
	[dreg:$0x1] =	wrdreg $0xFFFFFFFF  }
0xaa: {  	s28 =	simm.s32 $_size_execute0_lowered;
	s6 =	sadd.s32 s6, s7;
	[dreg:$0x0] =	wrdreg $0x0  }
0xab: {  	s7 =	sshll.u32 s28, $0x1;
	[dreg:$0x2] =	wrdreg s6  }
0xac: {  	[dreg:$0x3] =	wrdreg s7  }
0xad: {  	[dreg:$0x4] =	wrdreg $0xC0  }
0xae: {  	_ =	task [dreg:s10], $0x5FFFF  }
0xaf: {  	[dreg:$0x1] =	wrdreg $0xFFFFFFFF  }
0xb0: {  	[dreg:$0x0] =	wrdreg $0x60  }
0xb1: {  	[dreg:$0x2] =	wrdreg s4  }
0xb2: {  	[dreg:$0x3] =	wrdreg s2  }
0xb3: {  	[dreg:$0x4] =	wrdreg s19  }
0xb4: {  	[dreg:$0x5] =	wrdreg s5  }
0xb5: {  	[dreg:$0x6] =	wrdreg $0x9  }
0xb6: {  	_ =	task.clear_ibuf [dreg:s10], $0x7FFFF;
	_ =	strace $0x90000046  }
0xb7: {  	s29 =	simm.s32 $0x9;
	_ =	strace $0x80000048  }
0xb8: {  	_ =	swait.ge [sflag:s29], $0x1  }
0xb9: {  	[sflag:s29] =	ssyncadd.s32 $0xFFFFFFFF  }
0xba: {  	_ =	strace $0x90000048  }
0xbb: {  	_ =	sfence  }
0xbc: {  	s30 =	sld [smem:$0x0];
	_ =	sdelay $0x2  }
0xbd: {  	s31 =	sshll.u32 s1, $0xD;
	s1 =	sshrl.u32 s1, $0x2  }
0xbe: {  	s3 =	sand.u32 $0x4000, s31;
	s1 =	sadd.s32 s1, s30  }
0xbf: {  	s0 =	sor.u32 s3, s0;
	s1 =	sshll.u32 s1, $0x11  }
0xc0: {  	s0 =	sor.u32 s1, s0  }
0xc1: {  	s0 =	sadd.s32 $0x8F2B, s0  }
0xc2: {  	[sflag:s0] =	ssyncadd.remote.s32 $0x1  }
0xc3: {  	_ =	sfence.sel $0xFFFF  }
0xc4: {  	[dreg:$0x0] =	wrdreg $0xFFFFFFFF;
	(pc) =	sbr.abs _section_cstart, $3  }
0xc5: {  	[dreg:$0x1] =	wrdreg $0xFFFFFFFF  }
0xc6: {  	_ =	task.clear_ibuf [dreg:s10], $0x2FFFF;
	_ =	strace $0x9FFFFFFF  }
0xc7: {  	(tm) =	ssettm $0x7FFFFFFF  }
tec
execute0_lowered:
.L_overlay_start_1:
0x0: {  	(tag) =	ssettag $0x1  }
0x1: {  	s1 =	rddreg [dreg:$0x0]  }
0x2: {  	s0 =	rddreg [dreg:$0x1]  }
0x3: {  	s4 =	rddreg [dreg:$0x2];
	s3 =	stileid.u32  }
0x4: {  	s5 =	rddreg [dreg:$0x3];
	s6 =	sshll.u32 s3, $0xA;
	s3 =	simm.s32 $0x0  }
0x5: {  	s2 =	srdreg.scid;
	s24 =	simm.s32 $0x200;
	[smem:$0x7FF] =	sst s3  }
0x6: {  	s25 =	simm.s32 $0x8E00;
	_ =	strace $0x80000047;
	[dreg:$0x16] =	wrdreg s24  }
0x7: {  	s26 =	simm.s32 $0x9600;
	s2 =	sand.u32 $0x1, s2;
	[dreg:$0x17] =	wrdreg s25  }
0x8: {  	s7 =	sshll.u32 s2, $0x9;
	[dreg:$0x18] =	wrdreg s26;
	s24 =	simm.s32 $0x16E00  }
0x9: {  	s6 =	sor.u32 s7, s6;
	s25 =	simm.s32 $0x17600;
	[smem:$0x7FB] =	sst s24  }
0xa: {  	s26 =	simm.s32 $0x17E00;
	s7 =	sshrl.u32 s6, $0x3;
	[smem:$0x7FC] =	sst s25  }
0xb: {  	[smem:$0x7FD] =	sst s26;
	s0 =	sadd.s32 s0, s7  }
0xc: {  	s6 =	sshll.u32 s6, $0x5;
	s7 =	sadd.s32 s4, s7;
	[dreg:$0x5] =	wrdreg s0  }
0xd: {  	s8 =	sadd.s32 s5, s6;
	[dreg:$0x6] =	wrdreg s7  }
0xe: {  	s4 =	simm.s32 $0x9E00;
	[smem:$0x7EE] =	sst s8  }
0xf: {  	s6 =	simm.s32 $0xAE00;
	[dreg:$0x19] =	wrdreg s4  }
0x10: {  	s9 =	sadd.s32 $0x400, s8;
	[dreg:$0x1a] =	wrdreg s6  }
0x11: {  	s10 =	sadd.s32 $0x800, s8;
	[dreg:$0x7] =	wrdreg s9  }
0x12: {  	s11 =	sadd.s32 $0xC00, s8;
	[dreg:$0x8] =	wrdreg s10  }
0x13: {  	s12 =	sadd.s32 $0x1000, s8;
	[dreg:$0x9] =	wrdreg s11  }
0x14: {  	s13 =	sadd.s32 $0x1400, s8;
	[dreg:$0xa] =	wrdreg s12  }
0x15: {  	s14 =	sadd.s32 $0x1800, s8;
	[dreg:$0xb] =	wrdreg s13  }
0x16: {  	s15 =	sadd.s32 $0x1C00, s8;
	[dreg:$0xc] =	wrdreg s14  }
0x17: {  	s16 =	sadd.s32 $0x2000, s8;
	[dreg:$0xd] =	wrdreg s15  }
0x18: {  	s17 =	sadd.s32 $0x2400, s8;
	[dreg:$0xe] =	wrdreg s16  }
0x19: {  	s18 =	sadd.s32 $0x2800, s8;
	[dreg:$0xf] =	wrdreg s17  }
0x1a: {  	s19 =	sadd.s32 $0x2C00, s8;
	[dreg:$0x10] =	wrdreg s18  }
0x1b: {  	s20 =	sadd.s32 $0x3000, s8;
	[dreg:$0x11] =	wrdreg s19  }
0x1c: {  	s21 =	sadd.s32 $0x3400, s8;
	[dreg:$0x12] =	wrdreg s20  }
0x1d: {  	s22 =	sadd.s32 $0x3800, s8;
	[dreg:$0x13] =	wrdreg s21  }
0x1e: {  	s23 =	sadd.s32 $0x3C00, s8;
	[dreg:$0x14] =	wrdreg s22  }
0x1f: {  	s7 =	simm.s32 $0xB600;
	[dreg:$0x15] =	wrdreg s23  }
0x20: {  	s8 =	simm.s32 $0xBE00;
	[dreg:$0x1b] =	wrdreg s7  }
0x21: {  	[dreg:$0x1c] =	wrdreg s8;
	s9 =	simm.s32 $0xCE00  }
0x22: {  	s10 =	simm.s32 $0xD600;
	[dreg:$0x1d] =	wrdreg s9  }
0x23: {  	s11 =	simm.s32 $0xDE00;
	[dreg:$0x1e] =	wrdreg s10  }
0x24: {  	s28 =	simm.s32 $0x4E00;
	s12 =	simm.s32 $0xEE00;
	[dreg:$0x1f] =	wrdreg s11  }
0x25: {  	s29 =	simm.s32 $0x5600;
	s13 =	simm.s32 $0xF600;
	[smem:$0x7EF] =	sst s12  }
0x26: {  	s30 =	simm.s32 $0x5E00;
	s14 =	simm.s32 $0xFE00;
	[smem:$0x7F0] =	sst s13  }
0x27: {  	s31 =	simm.s32 $0x6E00;
	s15 =	simm.s32 $0x10E00;
	[smem:$0x7F1] =	sst s14  }
0x28: {  	s2 =	ssub.s32 $0x2, s2;
	s16 =	simm.s32 $0x11600;
	[smem:$0x7F2] =	sst s15  }
0x29: {  	s26 =	simm.s32 $0x1;
	s17 =	simm.s32 $0x11E00;
	[smem:$0x7F3] =	sst s16  }
0x2a: {  	s24 =	simm.s32 $0x14600;
	s18 =	simm.s32 $0x12E00;
	[smem:$0x7F4] =	sst s17  }
0x2b: {  	s25 =	simm.s32 $0x16600;
	s19 =	simm.s32 $0x13600;
	[smem:$0x7F5] =	sst s18  }
0x2c: {  	s5 =	sshrl.u32 s2, $0x1;
	s20 =	simm.s32 $0x13E00;
	[smem:$0x7F6] =	sst s19  }
0x2d: {  	s2 =	ssub.s32 s2, s5;
	s21 =	simm.s32 $0x14E00;
	[smem:$0x7F7] =	sst s20  }
0x2e: {  	s6 =	simm.s32 $0x8600;
	s22 =	simm.s32 $0x15600;
	[smem:$0x7F8] =	sst s21  }
0x2f: {  	s5 =	smax.u32 s2, $0x1;
	s23 =	simm.s32 $0x15E00;
	[smem:$0x7F9] =	sst s22  }
0x30: {  	s7 =	simm.s32 $0xA600;
	s8 =	simm.s32 $0xC600;
	[smem:$0x7FA] =	sst s23  }
0x31: {  	s9 =	simm.s32 $0x2;
	s10 =	simm.s32 $0xD;
	s11 =	simm.s32 $0x3  }
0x32: {  	v2 =	vlaneseq.u32;
	s13 =	simm.s32 $0xE;
	s14 =	simm.s32 $0x4;
	s15 =	simm.s32 $0xF  }
0x33: {  	vm0 =	vmmov $0xffff;
	v1 =	vshrl.u32 v2, $0x3;
	s18 =	simm.s32 $0x10;
	s12 =	simm.s32 $0x600;
	s16 =	simm.s32 $0x2600  }
0x34: {  	v0 =	vand.u32 $0x7, v2;
	v2 =	vor.u32 $0x8, v2;
	v1 =	vmul.u32 $0x8, v1;
	s20 =	simm.s32 $0x4600;
	s22 =	simm.s32 $0x10600;
	s23 =	simm.s32 $0x12600  }
.LBB2_1:
0x35: {  	s17 =	rddreg [dreg:$0x5]  }
0x36: {  	s19 =	rddreg [dreg:$0x6]  }
0x37: {  	[tilespmem:s3], [sflag:$0x19] =	stream.linear.gather [hbm4b:s17+s3], $0x200, $0x38;
	[tilespmem:$0x18600] =	vst v63  }
0x38: {  	s21 =	rddreg [dreg:$0x16]  }
0x39: {  	[tilespmem:s21], [sflag:$0x1A] =	stream.linear.gather [hbm4b:s19+s3], $0x200, $0x38;
	[tilespmem:$0x18600] =	vst v63  }
0x3a: {  	s21 =	simm.s32 $0x19  }
0x3b: {  	_ =	swait.ge [sflag:s21], $0x200  }
0x3c: {  	[sflag:s21] =	ssyncset.done $0x0  }
0x3d: {  	s0 =	simm.s32 $0x1A;
	[sflag:s21] =	ssyncadd.s32 $0xFFFFFE00  }
0x3e: {  	_ =	swait.ge [sflag:s0], $0x200  }
0x3f: {  	[sflag:s0] =	ssyncset.done $0x0  }
0x40: {  	[sflag:s0] =	ssyncadd.s32 $0xFFFFFE00  }
0x41: {  	v3 =	vld [tilespmem:$0x200];
	_ =	sdelay $0x4  }
0x42: {  	v4 =	vld [tilespmem:$0x0];
	vm1 =	vgt.s32 v3, $0x1  }
0x43: {  	v3 =	vnsel vm1, $0x1, v3  }
0x44: {  	v3 =	vmin.u32 v3, $0x1FE  }
0x45: {  	v3 =	vmul.u32 $0x3E8, v3  }
0x46: {  	v5 =	vld [tilespmem:$0x210]  }
0x47: {  	v3 =	vadd.s32 v3, v4  }
0x48: {  	v3 =	vadd.s32 $0xFFFFFC18, v3  }
0x49: {  	v6 =	vshll.u32 v3, $0x1  }
0x4a: {  	v4 =	vand.u32 $0x7, v4;
	v6 =	vand.u32 $0xFFFFFFF0, v6  }
0x4b: {  	v7 =	vld [tilespmem:$0x10];
	vm1 =	vgt.s32 v5, $0x1;
	v4 =	vor.u32 v4, v6  }
0x4c: {  	v5 =	vnsel vm1, $0x1, v5;
	v6 =	vperm.xlane v4, v0  }
0x4d: {  	v5 =	vmin.u32 v5, $0x1FE  }
0x4e: {  	v5 =	vmul.u32 $0x3E8, v5;
	v4 =	vperm.xlane v4, v2;
	v6 =	vadd.s32 v1, v6;
	_ =	sdelay $0x1  }
0x4f: {  	v5 =	vadd.s32 v5, v7;
	v4 =	vadd.s32 v1, v4  }
0x50: {  	[tilespmem:$0x400] =	vst v3;
	v3 =	vadd.s32 $0xFFFFFC18, v5  }
0x51: {  	[tilespmem:$0x410] =	vst v3  }
0x52: {  	[tilespmem:s12], [sflag:$0x1] =	stream.indirect_vreg.gather [hbm4b:s1+s3], $0x80, v6, vm0, $0xb8;
	[tilespmem:$0x18600] =	vst v63  }
0x53: {  	s0 =	simm.s32 $0xE00  }
0x54: {  	[tilespmem:s0], [sflag:$0x1] =	stream.indirect_vreg.gather [hbm4b:s1+s3], $0x80, v4, vm0, $0xb8;
	[tilespmem:$0x18600] =	vst v63  }
0x55: {  	v3 =	vld [tilespmem:$0x410];
	_ =	sdelay $0x4  }
0x56: {  	v48 =	vshll.u32 v3, $0x1  }
0x57: {  	v3 =	vand.u32 $0x7, v3;
	v4 =	vand.u32 $0xFFFFFFF0, v48  }
0x58: {  	v3 =	vor.u32 v3, v4  }
0x59: {  	v4 =	vperm.xlane v3, v0;
	_ =	sdelay $0x1  }
0x5a: {  	v3 =	vperm.xlane v3, v2;
	v4 =	vadd.s32 v1, v4;
	_ =	sdelay $0x1  }
0x5b: {  	v3 =	vadd.s32 v1, v3;
	_ =	sdelay $0x1  }
0x5c: {  	s2 =	simm.s32 $0x1600  }
0x5d: {  	[tilespmem:s2], [sflag:$0x1] =	stream.indirect_vreg.gather [hbm4b:s1+s3], $0x80, v4, vm0, $0xb8;
	[tilespmem:$0x18600] =	vst v63  }
0x5e: {  	s4 =	simm.s32 $0x1E00  }
0x5f: {  	[tilespmem:s4], [sflag:$0x1] =	stream.indirect_vreg.gather [hbm4b:s1+s3], $0x80, v3, vm0, $0xb8;
	[tilespmem:$0x18600] =	vst v63  }
0x60: {  	v3 =	vld [tilespmem:$0x220];
	_ =	sdelay $0x4  }
0x61: {  	v4 =	vld [tilespmem:$0x20];
	vm1 =	vgt.s32 v3, $0x1  }
0x62: {  	v3 =	vnsel vm1, $0x1, v3  }
0x63: {  	v3 =	vmin.u32 v3, $0x1FE  }
0x64: {  	v3 =	vmul.u32 $0x3E8, v3  }
0x65: {  	v49 =	vld [tilespmem:$0x230]  }
0x66: {  	v3 =	vadd.s32 v3, v4  }
0x67: {  	v3 =	vadd.s32 $0xFFFFFC18, v3  }
0x68: {  	v50 =	vshll.u32 v3, $0x1  }
0x69: {  	v4 =	vand.u32 $0x7, v4;
	v6 =	vand.u32 $0xFFFFFFF0, v50  }
0x6a: {  	v51 =	vld [tilespmem:$0x30];
	vm1 =	vgt.s32 v49, $0x1;
	v4 =	vor.u32 v4, v6  }
0x6b: {  	v5 =	vnsel vm1, $0x1, v49;
	v6 =	vperm.xlane v4, v0  }
0x6c: {  	v5 =	vmin.u32 v5, $0x1FE  }
0x6d: {  	v5 =	vmul.u32 $0x3E8, v5;
	v4 =	vperm.xlane v4, v2;
	v6 =	vadd.s32 v1, v6;
	_ =	sdelay $0x1  }
0x6e: {  	v5 =	vadd.s32 v5, v51;
	v4 =	vadd.s32 v1, v4  }
0x6f: {  	[tilespmem:$0x420] =	vst v3;
	v3 =	vadd.s32 $0xFFFFFC18, v5  }
0x70: {  	[tilespmem:$0x430] =	vst v3  }
0x71: {  	[tilespmem:s16], [sflag:$0x2] =	stream.indirect_vreg.gather [hbm4b:s1+s3], $0x80, v6, vm0, $0xb8;
	[tilespmem:$0x18600] =	vst v63  }
0x72: {  	s17 =	simm.s32 $0x2E00  }
0x73: {  	[tilespmem:s17], [sflag:$0x2] =	stream.indirect_vreg.gather [hbm4b:s1+s3], $0x80, v4, vm0, $0xb8;
	[tilespmem:$0x18600] =	vst v63  }
0x74: {  	v3 =	vld [tilespmem:$0x430];
	_ =	sdelay $0x4  }
0x75: {  	v52 =	vshll.u32 v3, $0x1  }
0x76: {  	v3 =	vand.u32 $0x7, v3;
	v4 =	vand.u32 $0xFFFFFFF0, v52  }
0x77: {  	v3 =	vor.u32 v3, v4  }
0x78: {  	v4 =	vperm.xlane v3, v0;
	_ =	sdelay $0x1  }
0x79: {  	v3 =	vperm.xlane v3, v2;
	v4 =	vadd.s32 v1, v4;
	_ =	sdelay $0x1  }
0x7a: {  	v3 =	vadd.s32 v1, v3;
	_ =	sdelay $0x1  }
0x7b: {  	s19 =	simm.s32 $0x3600  }
0x7c: {  	[tilespmem:s19], [sflag:$0x2] =	stream.indirect_vreg.gather [hbm4b:s1+s3], $0x80, v4, vm0, $0xb8;
	[tilespmem:$0x18600] =	vst v63  }
0x7d: {  	s21 =	simm.s32 $0x3E00  }
0x7e: {  	[tilespmem:s21], [sflag:$0x2] =	stream.indirect_vreg.gather [hbm4b:s1+s3], $0x80, v3, vm0, $0xb8;
	[tilespmem:$0x18600] =	vst v63  }
0x7f: {  	v3 =	vld [tilespmem:$0x240];
	_ =	sdelay $0x4  }
0x80: {  	v4 =	vld [tilespmem:$0x40];
	vm1 =	vgt.s32 v3, $0x1  }
0x81: {  	v3 =	vnsel vm1, $0x1, v3  }
0x82: {  	v3 =	vmin.u32 v3, $0x1FE  }
0x83: {  	v3 =	vmul.u32 $0x3E8, v3  }
0x84: {  	v53 =	vld [tilespmem:$0x250]  }
0x85: {  	v3 =	vadd.s32 v3, v4  }
0x86: {  	v3 =	vadd.s32 $0xFFFFFC18, v3  }
0x87: {  	v54 =	vshll.u32 v3, $0x1  }
0x88: {  	v4 =	vand.u32 $0x7, v4;
	v6 =	vand.u32 $0xFFFFFFF0, v54  }
0x89: {  	v55 =	vld [tilespmem:$0x50];
	vm1 =	vgt.s32 v53, $0x1;
	v4 =	vor.u32 v4, v6  }
0x8a: {  	v5 =	vnsel vm1, $0x1, v53;
	v6 =	vperm.xlane v4, v0  }
0x8b: {  	v5 =	vmin.u32 v5, $0x1FE  }
0x8c: {  	v5 =	vmul.u32 $0x3E8, v5;
	v4 =	vperm.xlane v4, v2;
	v6 =	vadd.s32 v1, v6;
	_ =	sdelay $0x1  }
0x8d: {  	v5 =	vadd.s32 v5, v55;
	v4 =	vadd.s32 v1, v4  }
0x8e: {  	[tilespmem:$0x440] =	vst v3;
	v3 =	vadd.s32 $0xFFFFFC18, v5  }
0x8f: {  	[tilespmem:$0x450] =	vst v3  }
0x90: {  	[tilespmem:s20], [sflag:$0x3] =	stream.indirect_vreg.gather [hbm4b:s1+s3], $0x80, v6, vm0, $0xb8;
	[tilespmem:$0x18600] =	vst v63  }
0x91: {  	_ = 	snop  }
0x92: {  	[tilespmem:s28], [sflag:$0x3] =	stream.indirect_vreg.gather [hbm4b:s1+s3], $0x80, v4, vm0, $0xb8;
	[tilespmem:$0x18600] =	vst v63  }
0x93: {  	v3 =	vld [tilespmem:$0x450];
	_ =	sdelay $0x4  }
0x94: {  	v56 =	vshll.u32 v3, $0x1  }
0x95: {  	v3 =	vand.u32 $0x7, v3;
	v4 =	vand.u32 $0xFFFFFFF0, v56  }
0x96: {  	v3 =	vor.u32 v3, v4  }
0x97: {  	v4 =	vperm.xlane v3, v0;
	_ =	sdelay $0x1  }
0x98: {  	v3 =	vperm.xlane v3, v2;
	v4 =	vadd.s32 v1, v4;
	_ =	sdelay $0x1  }
0x99: {  	v3 =	vadd.s32 v1, v3;
	_ =	sdelay $0x2  }
0x9a: {  	[tilespmem:s29], [sflag:$0x3] =	stream.indirect_vreg.gather [hbm4b:s1+s3], $0x80, v4, vm0, $0xb8;
	[tilespmem:$0x18600] =	vst v63  }
0x9b: {  	_ = 	snop  }
0x9c: {  	[tilespmem:s30], [sflag:$0x3] =	stream.indirect_vreg.gather [hbm4b:s1+s3], $0x80, v3, vm0, $0xb8;
	[tilespmem:$0x18600] =	vst v63  }
0x9d: {  	v3 =	vld [tilespmem:$0x260];
	_ =	sdelay $0x4  }
0x9e: {  	v4 =	vld [tilespmem:$0x60];
	vm1 =	vgt.s32 v3, $0x1  }
0x9f: {  	v3 =	vnsel vm1, $0x1, v3  }
0xa0: {  	v3 =	vmin.u32 v3, $0x1FE  }
0xa1: {  	v3 =	vmul.u32 $0x3E8, v3  }
0xa2: {  	v57 =	vld [tilespmem:$0x270]  }
0xa3: {  	v3 =	vadd.s32 v3, v4  }
0xa4: {  	v3 =	vadd.s32 $0xFFFFFC18, v3  }
0xa5: {  	v58 =	vshll.u32 v3, $0x1  }
0xa6: {  	v4 =	vand.u32 $0x7, v4;
	v6 =	vand.u32 $0xFFFFFFF0, v58  }
0xa7: {  	v59 =	vld [tilespmem:$0x70];
	vm1 =	vgt.s32 v57, $0x1;
	v4 =	vor.u32 v4, v6  }
0xa8: {  	v5 =	vnsel vm1, $0x1, v57;
	v6 =	vperm.xlane v4, v0  }
0xa9: {  	v5 =	vmin.u32 v5, $0x1FE  }
0xaa: {  	v5 =	vmul.u32 $0x3E8, v5;
	v4 =	vperm.xlane v4, v2;
	v6 =	vadd.s32 v1, v6;
	_ =	sdelay $0x1  }
0xab: {  	v5 =	vadd.s32 v5, v59;
	v4 =	vadd.s32 v1, v4  }
0xac: {  	[tilespmem:$0x460] =	vst v3;
	v3 =	vadd.s32 $0xFFFFFC18, v5  }
0xad: {  	s0 =	simm.s32 $0x6600;
	[tilespmem:$0x470] =	vst v3  }
0xae: {  	[tilespmem:s0], [sflag:$0x4] =	stream.indirect_vreg.gather [hbm4b:s1+s3], $0x80, v6, vm0, $0xb8;
	[tilespmem:$0x18600] =	vst v63  }
0xaf: {  	_ = 	snop  }
0xb0: {  	[tilespmem:s31], [sflag:$0x4] =	stream.indirect_vreg.gather [hbm4b:s1+s3], $0x80, v4, vm0, $0xb8;
	[tilespmem:$0x18600] =	vst v63  }
0xb1: {  	v3 =	vld [tilespmem:$0x470];
	_ =	sdelay $0x4  }
0xb2: {  	v60 =	vshll.u32 v3, $0x1  }
0xb3: {  	v3 =	vand.u32 $0x7, v3;
	v4 =	vand.u32 $0xFFFFFFF0, v60  }
0xb4: {  	v3 =	vor.u32 v3, v4  }
0xb5: {  	v4 =	vperm.xlane v3, v0;
	_ =	sdelay $0x1  }
0xb6: {  	v3 =	vperm.xlane v3, v2;
	v4 =	vadd.s32 v1, v4;
	_ =	sdelay $0x1  }
0xb7: {  	v3 =	vadd.s32 v1, v3;
	_ =	sdelay $0x1  }
0xb8: {  	s21 =	simm.s32 $0x7600  }
0xb9: {  	[tilespmem:s21], [sflag:$0x4] =	stream.indirect_vreg.gather [hbm4b:s1+s3], $0x80, v4, vm0, $0xb8;
	[tilespmem:$0x18600] =	vst v63  }
0xba: {  	s4 =	simm.s32 $0x7E00  }
0xbb: {  	[tilespmem:s4], [sflag:$0x4] =	stream.indirect_vreg.gather [hbm4b:s1+s3], $0x80, v3, vm0, $0xb8;
	[tilespmem:$0x18600] =	vst v63  }
0xbc: {  	v3 =	vld [tilespmem:$0x280];
	_ =	sdelay $0x4  }
0xbd: {  	v4 =	vld [tilespmem:$0x80];
	vm1 =	vgt.s32 v3, $0x1  }
0xbe: {  	v3 =	vnsel vm1, $0x1, v3  }
0xbf: {  	v3 =	vmin.u32 v3, $0x1FE  }
0xc0: {  	v3 =	vmul.u32 $0x3E8, v3  }
0xc1: {  	v61 =	vld [tilespmem:$0x290]  }
0xc2: {  	v3 =	vadd.s32 v3, v4  }
0xc3: {  	v3 =	vadd.s32 $0xFFFFFC18, v3  }
0xc4: {  	v62 =	vshll.u32 v3, $0x1  }
0xc5: {  	v4 =	vand.u32 $0x7, v4;
	v6 =	vand.u32 $0xFFFFFFF0, v62  }
0xc6: {  	v63 =	vld [tilespmem:$0x90];
	vm1 =	vgt.s32 v61, $0x1;
	v4 =	vor.u32 v4, v6  }
0xc7: {  	v5 =	vnsel vm1, $0x1, v61;
	v6 =	vperm.xlane v4, v0  }
0xc8: {  	v5 =	vmin.u32 v5, $0x1FE  }
0xc9: {  	v5 =	vmul.u32 $0x3E8, v5;
	v4 =	vperm.xlane v4, v2;
	v6 =	vadd.s32 v1, v6;
	_ =	sdelay $0x1  }
0xca: {  	v5 =	vadd.s32 v5, v63;
	v4 =	vadd.s32 v1, v4  }
0xcb: {  	[tilespmem:$0x480] =	vst v3;
	v3 =	vadd.s32 $0xFFFFFC18, v5  }
0xcc: {  	[tilespmem:$0x490] =	vst v3  }
0xcd: {  	[tilespmem:s6], [sflag:$0x5] =	stream.indirect_vreg.gather [hbm4b:s1+s3], $0x80, v6, vm0, $0xb8;
	[tilespmem:$0x18600] =	vst v63  }
0xce: {  	s2 =	rddreg [dreg:$0x17]  }
0xcf: {  	[tilespmem:s2], [sflag:$0x5] =	stream.indirect_vreg.gather [hbm4b:s1+s3], $0x80, v4, vm0, $0xb8;
	[tilespmem:$0x18600] =	vst v63  }
0xd0: {  	v3 =	vld [tilespmem:$0x490];
	_ =	sdelay $0x4  }
0xd1: {  	v9 =	vshll.u32 v3, $0x1  }
0xd2: {  	v3 =	vand.u32 $0x7, v3;
	v4 =	vand.u32 $0xFFFFFFF0, v9  }
0xd3: {  	v3 =	vor.u32 v3, v4  }
0xd4: {  	v4 =	vperm.xlane v3, v0;
	_ =	sdelay $0x1  }
0xd5: {  	v3 =	vperm.xlane v3, v2;
	v4 =	vadd.s32 v1, v4;
	_ =	sdelay $0x1  }
0xd6: {  	v3 =	vadd.s32 v1, v3;
	_ =	sdelay $0x1  }
0xd7: {  	s19 =	rddreg [dreg:$0x18]  }
0xd8: {  	[tilespmem:s19], [sflag:$0x5] =	stream.indirect_vreg.gather [hbm4b:s1+s3], $0x80, v4, vm0, $0xb8;
	[tilespmem:$0x18600] =	vst v63  }
0xd9: {  	s2 =	rddreg [dreg:$0x19]  }
0xda: {  	[tilespmem:s2], [sflag:$0x5] =	stream.indirect_vreg.gather [hbm4b:s1+s3], $0x80, v3, vm0, $0xb8;
	[tilespmem:$0x18600] =	vst v63  }
0xdb: {  	v3 =	vld [tilespmem:$0x2A0];
	_ =	sdelay $0x4  }
0xdc: {  	v4 =	vld [tilespmem:$0xA0];
	vm1 =	vgt.s32 v3, $0x1  }
0xdd: {  	v3 =	vnsel vm1, $0x1, v3  }
0xde: {  	v3 =	vmin.u32 v3, $0x1FE  }
0xdf: {  	v3 =	vmul.u32 $0x3E8, v3  }
0xe0: {  	v10 =	vld [tilespmem:$0x2B0]  }
0xe1: {  	v3 =	vadd.s32 v3, v4  }
0xe2: {  	v3 =	vadd.s32 $0xFFFFFC18, v3  }
0xe3: {  	v11 =	vshll.u32 v3, $0x1  }
0xe4: {  	v4 =	vand.u32 $0x7, v4;
	v6 =	vand.u32 $0xFFFFFFF0, v11  }
0xe5: {  	v12 =	vld [tilespmem:$0xB0];
	vm1 =	vgt.s32 v10, $0x1;
	v4 =	vor.u32 v4, v6  }
0xe6: {  	v5 =	vnsel vm1, $0x1, v10;
	v6 =	vperm.xlane v4, v0  }
0xe7: {  	v5 =	vmin.u32 v5, $0x1FE  }
0xe8: {  	v5 =	vmul.u32 $0x3E8, v5;
	v4 =	vperm.xlane v4, v2;
	v6 =	vadd.s32 v1, v6;
	_ =	sdelay $0x1  }
0xe9: {  	v5 =	vadd.s32 v5, v12;
	v4 =	vadd.s32 v1, v4  }
0xea: {  	[tilespmem:$0x4A0] =	vst v3;
	v3 =	vadd.s32 $0xFFFFFC18, v5  }
0xeb: {  	[tilespmem:$0x4B0] =	vst v3  }
0xec: {  	[tilespmem:s7], [sflag:$0x6] =	stream.indirect_vreg.gather [hbm4b:s1+s3], $0x80, v6, vm0, $0xb8;
	[tilespmem:$0x18600] =	vst v63  }
0xed: {  	s2 =	rddreg [dreg:$0x1a]  }
0xee: {  	[tilespmem:s2], [sflag:$0x6] =	stream.indirect_vreg.gather [hbm4b:s1+s3], $0x80, v4, vm0, $0xb8;
	[tilespmem:$0x18600] =	vst v63  }
0xef: {  	v3 =	vld [tilespmem:$0x4B0];
	_ =	sdelay $0x4  }
0xf0: {  	v13 =	vshll.u32 v3, $0x1  }
0xf1: {  	v3 =	vand.u32 $0x7, v3;
	v4 =	vand.u32 $0xFFFFFFF0, v13  }
0xf2: {  	v3 =	vor.u32 v3, v4  }
0xf3: {  	v4 =	vperm.xlane v3, v0;
	_ =	sdelay $0x1  }
0xf4: {  	v3 =	vperm.xlane v3, v2;
	v4 =	vadd.s32 v1, v4;
	_ =	sdelay $0x1  }
0xf5: {  	v3 =	vadd.s32 v1, v3;
	_ =	sdelay $0x1  }
0xf6: {  	s19 =	rddreg [dreg:$0x1b]  }
0xf7: {  	[tilespmem:s19], [sflag:$0x6] =	stream.indirect_vreg.gather [hbm4b:s1+s3], $0x80, v4, vm0, $0xb8;
	[tilespmem:$0x18600] =	vst v63  }
0xf8: {  	s2 =	rddreg [dreg:$0x1c]  }
0xf9: {  	[tilespmem:s2], [sflag:$0x6] =	stream.indirect_vreg.gather [hbm4b:s1+s3], $0x80, v3, vm0, $0xb8;
	[tilespmem:$0x18600] =	vst v63  }
0xfa: {  	v3 =	vld [tilespmem:$0x2C0];
	_ =	sdelay $0x4  }
0xfb: {  	v4 =	vld [tilespmem:$0xC0];
	vm1 =	vgt.s32 v3, $0x1  }
0xfc: {  	v3 =	vnsel vm1, $0x1, v3  }
0xfd: {  	v3 =	vmin.u32 v3, $0x1FE  }
0xfe: {  	v3 =	vmul.u32 $0x3E8, v3  }
0xff: {  	v14 =	vld [tilespmem:$0x2D0]  }
0x100: {  	v3 =	vadd.s32 v3, v4  }
0x101: {  	v3 =	vadd.s32 $0xFFFFFC18, v3  }
0x102: {  	v15 =	vshll.u32 v3, $0x1  }
0x103: {  	v4 =	vand.u32 $0x7, v4;
	v6 =	vand.u32 $0xFFFFFFF0, v15  }
0x104: {  	v16 =	vld [tilespmem:$0xD0];
	vm1 =	vgt.s32 v14, $0x1;
	v4 =	vor.u32 v4, v6  }
0x105: {  	v5 =	vnsel vm1, $0x1, v14;
	v6 =	vperm.xlane v4, v0  }
0x106: {  	v5 =	vmin.u32 v5, $0x1FE  }
0x107: {  	v5 =	vmul.u32 $0x3E8, v5;
	v4 =	vperm.xlane v4, v2;
	v6 =	vadd.s32 v1, v6;
	_ =	sdelay $0x1  }
0x108: {  	v5 =	vadd.s32 v5, v16;
	v4 =	vadd.s32 v1, v4  }
0x109: {  	[tilespmem:$0x4C0] =	vst v3;
	v3 =	vadd.s32 $0xFFFFFC18, v5  }
0x10a: {  	[tilespmem:$0x4D0] =	vst v3  }
0x10b: {  	[tilespmem:s8], [sflag:$0x7] =	stream.indirect_vreg.gather [hbm4b:s1+s3], $0x80, v6, vm0, $0xb8;
	[tilespmem:$0x18600] =	vst v63  }
0x10c: {  	s2 =	rddreg [dreg:$0x1d]  }
0x10d: {  	[tilespmem:s2], [sflag:$0x7] =	stream.indirect_vreg.gather [hbm4b:s1+s3], $0x80, v4, vm0, $0xb8;
	[tilespmem:$0x18600] =	vst v63  }
0x10e: {  	v3 =	vld [tilespmem:$0x4D0];
	_ =	sdelay $0x4  }
0x10f: {  	v17 =	vshll.u32 v3, $0x1  }
0x110: {  	v3 =	vand.u32 $0x7, v3;
	v4 =	vand.u32 $0xFFFFFFF0, v17  }
0x111: {  	v3 =	vor.u32 v3, v4  }
0x112: {  	v4 =	vperm.xlane v3, v0;
	_ =	sdelay $0x1  }
0x113: {  	v3 =	vperm.xlane v3, v2;
	v4 =	vadd.s32 v1, v4;
	_ =	sdelay $0x1  }
0x114: {  	v3 =	vadd.s32 v1, v3;
	_ =	sdelay $0x1  }
0x115: {  	s19 =	rddreg [dreg:$0x1e]  }
0x116: {  	[tilespmem:s19], [sflag:$0x7] =	stream.indirect_vreg.gather [hbm4b:s1+s3], $0x80, v4, vm0, $0xb8;
	[tilespmem:$0x18600] =	vst v63  }
0x117: {  	s2 =	rddreg [dreg:$0x1f]  }
0x118: {  	[tilespmem:s2], [sflag:$0x7] =	stream.indirect_vreg.gather [hbm4b:s1+s3], $0x80, v3, vm0, $0xb8;
	[tilespmem:$0x18600] =	vst v63  }
0x119: {  	v3 =	vld [tilespmem:$0x2E0];
	_ =	sdelay $0x4  }
0x11a: {  	v4 =	vld [tilespmem:$0xE0];
	vm1 =	vgt.s32 v3, $0x1  }
0x11b: {  	v3 =	vnsel vm1, $0x1, v3  }
0x11c: {  	v3 =	vmin.u32 v3, $0x1FE  }
0x11d: {  	v3 =	vmul.u32 $0x3E8, v3  }
0x11e: {  	v18 =	vld [tilespmem:$0x2F0]  }
0x11f: {  	v3 =	vadd.s32 v3, v4  }
0x120: {  	v3 =	vadd.s32 $0xFFFFFC18, v3  }
0x121: {  	v19 =	vshll.u32 v3, $0x1  }
0x122: {  	v4 =	vand.u32 $0x7, v4;
	v6 =	vand.u32 $0xFFFFFFF0, v19  }
0x123: {  	v20 =	vld [tilespmem:$0xF0];
	vm1 =	vgt.s32 v18, $0x1;
	v4 =	vor.u32 v4, v6  }
0x124: {  	v5 =	vnsel vm1, $0x1, v18;
	v6 =	vperm.xlane v4, v0  }
0x125: {  	v5 =	vmin.u32 v5, $0x1FE  }
0x126: {  	v5 =	vmul.u32 $0x3E8, v5;
	v4 =	vperm.xlane v4, v2;
	v6 =	vadd.s32 v1, v6;
	_ =	sdelay $0x1  }
0x127: {  	v5 =	vadd.s32 v5, v20;
	v4 =	vadd.s32 v1, v4  }
0x128: {  	[tilespmem:$0x4E0] =	vst v3;
	v3 =	vadd.s32 $0xFFFFFC18, v5  }
0x129: {  	s19 =	sld [smem:$0x7EF];
	s2 =	simm.s32 $0xE600;
	[tilespmem:$0x4F0] =	vst v3  }
0x12a: {  	[tilespmem:s2], [sflag:$0x8] =	stream.indirect_vreg.gather [hbm4b:s1+s3], $0x80, v6, vm0, $0xb8;
	[tilespmem:$0x18600] =	vst v63  }
0x12b: {  	_ = 	snop  }
0x12c: {  	[tilespmem:s19], [sflag:$0x8] =	stream.indirect_vreg.gather [hbm4b:s1+s3], $0x80, v4, vm0, $0xb8;
	[tilespmem:$0x18600] =	vst v63  }
0x12d: {  	v3 =	vld [tilespmem:$0x4F0];
	_ =	sdelay $0x4  }
0x12e: {  	v21 =	vshll.u32 v3, $0x1  }
0x12f: {  	v3 =	vand.u32 $0x7, v3;
	v4 =	vand.u32 $0xFFFFFFF0, v21  }
0x130: {  	v3 =	vor.u32 v3, v4  }
0x131: {  	v4 =	vperm.xlane v3, v0;
	_ =	sdelay $0x1  }
0x132: {  	v3 =	vperm.xlane v3, v2;
	v4 =	vadd.s32 v1, v4;
	_ =	sdelay $0x1  }
0x133: {  	s17 =	sld [smem:$0x7F0];
	v3 =	vadd.s32 v1, v3;
	_ =	sdelay $0x1  }
0x134: {  	s19 =	sld [smem:$0x7F1]  }
0x135: {  	[tilespmem:s17], [sflag:$0x8] =	stream.indirect_vreg.gather [hbm4b:s1+s3], $0x80, v4, vm0, $0xb8;
	[tilespmem:$0x18600] =	vst v63  }
0x136: {  	_ = 	snop  }
0x137: {  	[tilespmem:s19], [sflag:$0x8] =	stream.indirect_vreg.gather [hbm4b:s1+s3], $0x80, v3, vm0, $0xb8;
	[tilespmem:$0x18600] =	vst v63  }
0x138: {  	v3 =	vld [tilespmem:$0x300];
	_ =	sdelay $0x4  }
0x139: {  	v4 =	vld [tilespmem:$0x100];
	vm1 =	vgt.s32 v3, $0x1  }
0x13a: {  	v3 =	vnsel vm1, $0x1, v3  }
0x13b: {  	v3 =	vmin.u32 v3, $0x1FE  }
0x13c: {  	v3 =	vmul.u32 $0x3E8, v3  }
0x13d: {  	v22 =	vld [tilespmem:$0x310]  }
0x13e: {  	v3 =	vadd.s32 v3, v4  }
0x13f: {  	v3 =	vadd.s32 $0xFFFFFC18, v3  }
0x140: {  	v23 =	vshll.u32 v3, $0x1  }
0x141: {  	v4 =	vand.u32 $0x7, v4;
	v6 =	vand.u32 $0xFFFFFFF0, v23  }
0x142: {  	v24 =	vld [tilespmem:$0x110];
	vm1 =	vgt.s32 v22, $0x1;
	v4 =	vor.u32 v4, v6  }
0x143: {  	v5 =	vnsel vm1, $0x1, v22;
	v6 =	vperm.xlane v4, v0  }
0x144: {  	v5 =	vmin.u32 v5, $0x1FE  }
0x145: {  	v5 =	vmul.u32 $0x3E8, v5;
	v4 =	vperm.xlane v4, v2;
	v6 =	vadd.s32 v1, v6;
	_ =	sdelay $0x1  }
0x146: {  	v5 =	vadd.s32 v5, v24;
	v4 =	vadd.s32 v1, v4  }
0x147: {  	[tilespmem:$0x500] =	vst v3;
	v3 =	vadd.s32 $0xFFFFFC18, v5  }
0x148: {  	s19 =	sld [smem:$0x7F2];
	[tilespmem:$0x510] =	vst v3  }
0x149: {  	[tilespmem:s22], [sflag:$0x9] =	stream.indirect_vreg.gather [hbm4b:s1+s3], $0x80, v6, vm0, $0xb8;
	[tilespmem:$0x18600] =	vst v63  }
0x14a: {  	_ = 	snop  }
0x14b: {  	[tilespmem:s19], [sflag:$0x9] =	stream.indirect_vreg.gather [hbm4b:s1+s3], $0x80, v4, vm0, $0xb8;
	[tilespmem:$0x18600] =	vst v63  }
0x14c: {  	v3 =	vld [tilespmem:$0x510];
	_ =	sdelay $0x4  }
0x14d: {  	v25 =	vshll.u32 v3, $0x1  }
0x14e: {  	v3 =	vand.u32 $0x7, v3;
	v4 =	vand.u32 $0xFFFFFFF0, v25  }
0x14f: {  	v3 =	vor.u32 v3, v4  }
0x150: {  	v4 =	vperm.xlane v3, v0;
	_ =	sdelay $0x1  }
0x151: {  	v3 =	vperm.xlane v3, v2;
	v4 =	vadd.s32 v1, v4;
	_ =	sdelay $0x1  }
0x152: {  	s17 =	sld [smem:$0x7F3];
	v3 =	vadd.s32 v1, v3;
	_ =	sdelay $0x1  }
0x153: {  	s19 =	sld [smem:$0x7F4]  }
0x154: {  	[tilespmem:s17], [sflag:$0x9] =	stream.indirect_vreg.gather [hbm4b:s1+s3], $0x80, v4, vm0, $0xb8;
	[tilespmem:$0x18600] =	vst v63  }
0x155: {  	_ = 	snop  }
0x156: {  	[tilespmem:s19], [sflag:$0x9] =	stream.indirect_vreg.gather [hbm4b:s1+s3], $0x80, v3, vm0, $0xb8;
	[tilespmem:$0x18600] =	vst v63  }
0x157: {  	v3 =	vld [tilespmem:$0x320];
	_ =	sdelay $0x4  }
0x158: {  	v4 =	vld [tilespmem:$0x120];
	vm1 =	vgt.s32 v3, $0x1  }
0x159: {  	v3 =	vnsel vm1, $0x1, v3  }
0x15a: {  	v3 =	vmin.u32 v3, $0x1FE  }
0x15b: {  	v3 =	vmul.u32 $0x3E8, v3  }
0x15c: {  	v26 =	vld [tilespmem:$0x330]  }
0x15d: {  	v3 =	vadd.s32 v3, v4  }
0x15e: {  	v3 =	vadd.s32 $0xFFFFFC18, v3  }
0x15f: {  	v27 =	vshll.u32 v3, $0x1  }
0x160: {  	v4 =	vand.u32 $0x7, v4;
	v6 =	vand.u32 $0xFFFFFFF0, v27  }
0x161: {  	v28 =	vld [tilespmem:$0x130];
	vm1 =	vgt.s32 v26, $0x1;
	v4 =	vor.u32 v4, v6  }
0x162: {  	v5 =	vnsel vm1, $0x1, v26;
	v6 =	vperm.xlane v4, v0  }
0x163: {  	v5 =	vmin.u32 v5, $0x1FE  }
0x164: {  	v5 =	vmul.u32 $0x3E8, v5;
	v4 =	vperm.xlane v4, v2;
	v6 =	vadd.s32 v1, v6;
	_ =	sdelay $0x1  }
0x165: {  	v5 =	vadd.s32 v5, v28;
	v4 =	vadd.s32 v1, v4  }
0x166: {  	[tilespmem:$0x520] =	vst v3;
	v3 =	vadd.s32 $0xFFFFFC18, v5  }
0x167: {  	s19 =	sld [smem:$0x7F5];
	[tilespmem:$0x530] =	vst v3  }
0x168: {  	[tilespmem:s23], [sflag:$0xA] =	stream.indirect_vreg.gather [hbm4b:s1+s3], $0x80, v6, vm0, $0xb8;
	[tilespmem:$0x18600] =	vst v63  }
0x169: {  	_ = 	snop  }
0x16a: {  	[tilespmem:s19], [sflag:$0xA] =	stream.indirect_vreg.gather [hbm4b:s1+s3], $0x80, v4, vm0, $0xb8;
	[tilespmem:$0x18600] =	vst v63  }
0x16b: {  	v3 =	vld [tilespmem:$0x530];
	_ =	sdelay $0x4  }
0x16c: {  	v29 =	vshll.u32 v3, $0x1  }
0x16d: {  	v3 =	vand.u32 $0x7, v3;
	v4 =	vand.u32 $0xFFFFFFF0, v29  }
0x16e: {  	v3 =	vor.u32 v3, v4  }
0x16f: {  	v4 =	vperm.xlane v3, v0;
	_ =	sdelay $0x1  }
0x170: {  	v3 =	vperm.xlane v3, v2;
	v4 =	vadd.s32 v1, v4;
	_ =	sdelay $0x1  }
0x171: {  	s17 =	sld [smem:$0x7F6];
	v3 =	vadd.s32 v1, v3;
	_ =	sdelay $0x1  }
0x172: {  	s19 =	sld [smem:$0x7F7]  }
0x173: {  	[tilespmem:s17], [sflag:$0xA] =	stream.indirect_vreg.gather [hbm4b:s1+s3], $0x80, v4, vm0, $0xb8;
	[tilespmem:$0x18600] =	vst v63  }
0x174: {  	_ = 	snop  }
0x175: {  	[tilespmem:s19], [sflag:$0xA] =	stream.indirect_vreg.gather [hbm4b:s1+s3], $0x80, v3, vm0, $0xb8;
	[tilespmem:$0x18600] =	vst v63  }
0x176: {  	v3 =	vld [tilespmem:$0x340];
	_ =	sdelay $0x4  }
0x177: {  	v4 =	vld [tilespmem:$0x140];
	vm1 =	vgt.s32 v3, $0x1  }
0x178: {  	v3 =	vnsel vm1, $0x1, v3  }
0x179: {  	v3 =	vmin.u32 v3, $0x1FE  }
0x17a: {  	v3 =	vmul.u32 $0x3E8, v3  }
0x17b: {  	v30 =	vld [tilespmem:$0x350]  }
0x17c: {  	v3 =	vadd.s32 v3, v4  }
0x17d: {  	v3 =	vadd.s32 $0xFFFFFC18, v3  }
0x17e: {  	v31 =	vshll.u32 v3, $0x1  }
0x17f: {  	v4 =	vand.u32 $0x7, v4;
	v6 =	vand.u32 $0xFFFFFFF0, v31  }
0x180: {  	v32 =	vld [tilespmem:$0x150];
	vm1 =	vgt.s32 v30, $0x1;
	v4 =	vor.u32 v4, v6  }
0x181: {  	v5 =	vnsel vm1, $0x1, v30;
	v6 =	vperm.xlane v4, v0  }
0x182: {  	v5 =	vmin.u32 v5, $0x1FE  }
0x183: {  	v5 =	vmul.u32 $0x3E8, v5;
	v4 =	vperm.xlane v4, v2;
	v6 =	vadd.s32 v1, v6;
	_ =	sdelay $0x1  }
0x184: {  	v5 =	vadd.s32 v5, v32;
	v4 =	vadd.s32 v1, v4  }
0x185: {  	[tilespmem:$0x540] =	vst v3;
	v3 =	vadd.s32 $0xFFFFFC18, v5  }
0x186: {  	s19 =	sld [smem:$0x7F8];
	[tilespmem:$0x550] =	vst v3  }
0x187: {  	[tilespmem:s24], [sflag:$0xB] =	stream.indirect_vreg.gather [hbm4b:s1+s3], $0x80, v6, vm0, $0xb8;
	[tilespmem:$0x18600] =	vst v63  }
0x188: {  	_ = 	snop  }
0x189: {  	[tilespmem:s19], [sflag:$0xB] =	stream.indirect_vreg.gather [hbm4b:s1+s3], $0x80, v4, vm0, $0xb8;
	[tilespmem:$0x18600] =	vst v63  }
0x18a: {  	v3 =	vld [tilespmem:$0x550];
	_ =	sdelay $0x4  }
0x18b: {  	v33 =	vshll.u32 v3, $0x1  }
0x18c: {  	v3 =	vand.u32 $0x7, v3;
	v4 =	vand.u32 $0xFFFFFFF0, v33  }
0x18d: {  	v3 =	vor.u32 v3, v4  }
0x18e: {  	v4 =	vperm.xlane v3, v0;
	_ =	sdelay $0x1  }
0x18f: {  	v3 =	vperm.xlane v3, v2;
	v4 =	vadd.s32 v1, v4;
	_ =	sdelay $0x1  }
0x190: {  	s17 =	sld [smem:$0x7F9];
	v3 =	vadd.s32 v1, v3;
	_ =	sdelay $0x1  }
0x191: {  	s19 =	sld [smem:$0x7FA]  }
0x192: {  	[tilespmem:s17], [sflag:$0xB] =	stream.indirect_vreg.gather [hbm4b:s1+s3], $0x80, v4, vm0, $0xb8;
	[tilespmem:$0x18600] =	vst v63  }
0x193: {  	_ = 	snop  }
0x194: {  	[tilespmem:s19], [sflag:$0xB] =	stream.indirect_vreg.gather [hbm4b:s1+s3], $0x80, v3, vm0, $0xb8;
	[tilespmem:$0x18600] =	vst v63  }
0x195: {  	v3 =	vld [tilespmem:$0x360];
	_ =	sdelay $0x4  }
0x196: {  	v4 =	vld [tilespmem:$0x160];
	vm1 =	vgt.s32 v3, $0x1  }
0x197: {  	v3 =	vnsel vm1, $0x1, v3  }
0x198: {  	v3 =	vmin.u32 v3, $0x1FE  }
0x199: {  	v3 =	vmul.u32 $0x3E8, v3  }
0x19a: {  	v34 =	vld [tilespmem:$0x370]  }
0x19b: {  	v3 =	vadd.s32 v3, v4  }
0x19c: {  	v3 =	vadd.s32 $0xFFFFFC18, v3  }
0x19d: {  	v35 =	vshll.u32 v3, $0x1  }
0x19e: {  	v4 =	vand.u32 $0x7, v4;
	v6 =	vand.u32 $0xFFFFFFF0, v35  }
0x19f: {  	v36 =	vld [tilespmem:$0x170];
	vm1 =	vgt.s32 v34, $0x1;
	v4 =	vor.u32 v4, v6  }
0x1a0: {  	v5 =	vnsel vm1, $0x1, v34;
	v6 =	vperm.xlane v4, v0  }
0x1a1: {  	v5 =	vmin.u32 v5, $0x1FE  }
0x1a2: {  	v5 =	vmul.u32 $0x3E8, v5;
	v4 =	vperm.xlane v4, v2;
	v6 =	vadd.s32 v1, v6;
	_ =	sdelay $0x1  }
0x1a3: {  	v5 =	vadd.s32 v5, v36;
	v4 =	vadd.s32 v1, v4  }
0x1a4: {  	[tilespmem:$0x560] =	vst v3;
	v3 =	vadd.s32 $0xFFFFFC18, v5  }
0x1a5: {  	s19 =	sld [smem:$0x7FB];
	[tilespmem:$0x570] =	vst v3  }
0x1a6: {  	[tilespmem:s25], [sflag:$0xC] =	stream.indirect_vreg.gather [hbm4b:s1+s3], $0x80, v6, vm0, $0xb8;
	[tilespmem:$0x18600] =	vst v63  }
0x1a7: {  	_ = 	snop  }
0x1a8: {  	[tilespmem:s19], [sflag:$0xC] =	stream.indirect_vreg.gather [hbm4b:s1+s3], $0x80, v4, vm0, $0xb8;
	[tilespmem:$0x18600] =	vst v63  }
0x1a9: {  	v3 =	vld [tilespmem:$0x570];
	_ =	sdelay $0x4  }
0x1aa: {  	v37 =	vshll.u32 v3, $0x1  }
0x1ab: {  	v3 =	vand.u32 $0x7, v3;
	v4 =	vand.u32 $0xFFFFFFF0, v37  }
0x1ac: {  	v3 =	vor.u32 v3, v4  }
0x1ad: {  	v4 =	vperm.xlane v3, v0;
	_ =	sdelay $0x1  }
0x1ae: {  	v3 =	vperm.xlane v3, v2;
	v4 =	vadd.s32 v1, v4;
	_ =	sdelay $0x1  }
0x1af: {  	s17 =	sld [smem:$0x7FC];
	v3 =	vadd.s32 v1, v3;
	_ =	sdelay $0x1  }
0x1b0: {  	s19 =	sld [smem:$0x7FD]  }
0x1b1: {  	[tilespmem:s17], [sflag:$0xC] =	stream.indirect_vreg.gather [hbm4b:s1+s3], $0x80, v4, vm0, $0xb8;
	[tilespmem:$0x18600] =	vst v63  }
0x1b2: {  	_ = 	snop  }
0x1b3: {  	[tilespmem:s19], [sflag:$0xC] =	stream.indirect_vreg.gather [hbm4b:s1+s3], $0x80, v3, vm0, $0xb8;
	[tilespmem:$0x18600] =	vst v63  }
0x1b4: {  	v3 =	vld [tilespmem:$0x380]  }
0x1b5: {  	v4 =	vld [tilespmem:$0x180]  }
0x1b6: {  	v38 =	vld [tilespmem:$0x390]  }
0x1b7: {  	v39 =	vld [tilespmem:$0x3A0]  }
0x1b8: {  	v9 =	vld [tilespmem:$0x3B0]  }
0x1b9: {  	v10 =	vld [tilespmem:$0x3C0];
	vm1 =	vgt.s32 v3, $0x1  }
0x1ba: {  	v6 =	vld [tilespmem:$0x190];
	v3 =	vnsel vm1, $0x1, v3  }
0x1bb: {  	v42 =	vld [tilespmem:$0x3D0];
	vm1 =	vgt.s32 v38, $0x1;
	v3 =	vmin.u32 v3, $0x1FE  }
0x1bc: {  	v8 =	vld [tilespmem:$0x1A0];
	v5 =	vnsel vm1, $0x1, v38;
	vm1 =	vgt.s32 v39, $0x1;
	v3 =	vmul.u32 $0x3E8, v3  }
0x1bd: {  	v13 =	vld [tilespmem:$0x3E0];
	v40 =	vmin.u32 v5, $0x1FE;
	v41 =	vnsel vm1, $0x1, v39;
	vm1 =	vgt.s32 v9, $0x1  }
0x1be: {  	v14 =	vld [tilespmem:$0x3F0];
	v5 =	vmin.u32 v41, $0x1FE;
	v9 =	vnsel vm1, $0x1, v9;
	vm1 =	vgt.s32 v10, $0x1  }
0x1bf: {  	v11 =	vld [tilespmem:$0x1B0];
	v3 =	vadd.s32 v3, v4;
	v4 =	vmul.u32 $0x3E8, v40;
	v5 =	vmul.u32 $0x3E8, v5  }
0x1c0: {  	v43 =	vnsel vm1, $0x1, v10;
	v9 =	vmin.u32 v9, $0x1FE;
	vm1 =	vgt.s32 v42, $0x1  }
0x1c1: {  	v44 =	vmul.u32 $0x3E8, v9;
	v3 =	vadd.s32 $0xFFFFFC18, v3;
	v7 =	vnsel vm1, $0x1, v42  }
0x1c2: {  	v12 =	vld [tilespmem:$0x1C0];
	vm1 =	vgt.s32 v13, $0x1;
	v4 =	vadd.s32 v4, v6;
	v5 =	vadd.s32 v5, v8  }
0x1c3: {  	v45 =	vld [tilespmem:$0x1D0];
	v6 =	vmin.u32 v43, $0x1FE;
	v46 =	vnsel vm1, $0x1, v13;
	vm1 =	vgt.s32 v14, $0x1  }
0x1c4: {  	v47 =	vld [tilespmem:$0x1E0];
	v48 =	vmin.u32 v7, $0x1FE;
	v6 =	vmul.u32 $0x3E8, v6;
	v8 =	vadd.s32 v44, v11  }
0x1c5: {  	v50 =	vld [tilespmem:$0x1F0];
	[tilespmem:$0x580] =	vst v3;
	v3 =	vadd.s32 $0xFFFFFC18, v4;
	v49 =	vnsel vm1, $0x1, v14;
	v51 =	vmin.u32 v46, $0x1FE  }
0x1c6: {  	v4 =	vmul.u32 $0x3E8, v48;
	[tilespmem:$0x590] =	vst v3;
	v3 =	vadd.s32 $0xFFFFFC18, v5;
	v5 =	vmul.u32 $0x3E8, v51  }
0x1c7: {  	v7 =	vmin.u32 v49, $0x1FE;
	v6 =	vadd.s32 v6, v12;
	[tilespmem:$0x5A0] =	vst v3;
	v3 =	vadd.s32 $0xFFFFFC18, v8  }
0x1c8: {  	v53 =	vmul.u32 $0x3E8, v7;
	[tilespmem:$0x5B0] =	vst v3;
	v3 =	vadd.s32 v4, v45;
	v52 =	vadd.s32 $0xFFFFFC18, v6  }
0x1c9: {  	v54 =	vadd.s32 v5, v47;
	[tilespmem:$0x5C0] =	vst v52;
	v3 =	vadd.s32 $0xFFFFFC18, v3  }
0x1ca: {  	v55 =	vadd.s32 v53, v50;
	[tilespmem:$0x5D0] =	vst v3;
	v3 =	vadd.s32 $0xFFFFFC18, v54  }
0x1cb: {  	[tilespmem:$0x5E0] =	vst v3;
	v3 =	vadd.s32 $0xFFFFFC18, v55  }
0x1cc: {  	[tilespmem:$0x5F0] =	vst v3  }
0x1cd: {  	_ =	swait.ge [sflag:s26], $0x2000  }
0x1ce: {  	s19 =	sld [smem:$0x7EE]  }
0x1cf: {  	[sflag:s26] =	ssyncset.done $0x0  }
0x1d0: {  	[sflag:s26] =	ssyncadd.s32 $0xFFFFE000  }
0x1d1: {  	[hbm4b:s19+s3] =	stream.linear.scatter [tilespmem:s12], [sflag:$0xD], $0x2000, $0x38;
	[tilespmem:$0x18600] =	vst v63  }
0x1d2: {  	_ =	swait.ge [sflag:s9], $0x2000  }
0x1d3: {  	[sflag:s9] =	ssyncset.done $0x0  }
0x1d4: {  	s19 =	rddreg [dreg:$0x7];
	[sflag:s9] =	ssyncadd.s32 $0xFFFFE000  }
0x1d5: {  	[hbm4b:s19+s3] =	stream.linear.scatter [tilespmem:s16], [sflag:$0xE], $0x2000, $0x38;
	[tilespmem:$0x18600] =	vst v63  }
0x1d6: {  	_ =	swait.ge [sflag:s10], $0x2000  }
0x1d7: {  	[sflag:s10] =	ssyncset.done $0x0  }
0x1d8: {  	[sflag:s10] =	ssyncadd.s32 $0xFFFFE000  }
0x1d9: {  	v3 =	vld [tilespmem:$0x580];
	_ =	sdelay $0x4  }
0x1da: {  	v56 =	vshll.u32 v3, $0x1  }
0x1db: {  	v3 =	vand.u32 $0x7, v3;
	v4 =	vand.u32 $0xFFFFFFF0, v56  }
0x1dc: {  	v3 =	vor.u32 v3, v4  }
0x1dd: {  	v4 =	vperm.xlane v3, v0;
	_ =	sdelay $0x1  }
0x1de: {  	v3 =	vperm.xlane v3, v2;
	v4 =	vadd.s32 v1, v4;
	_ =	sdelay $0x1  }
0x1df: {  	v3 =	vadd.s32 v1, v3;
	_ =	sdelay $0x2  }
0x1e0: {  	[tilespmem:s12], [sflag:$0x1] =	stream.indirect_vreg.gather [hbm4b:s1+s3], $0x80, v4, vm0, $0xb8;
	[tilespmem:$0x18600] =	vst v63  }
0x1e1: {  	s19 =	simm.s32 $0xE00  }
0x1e2: {  	[tilespmem:s19], [sflag:$0x1] =	stream.indirect_vreg.gather [hbm4b:s1+s3], $0x80, v3, vm0, $0xb8;
	[tilespmem:$0x18600] =	vst v63  }
0x1e3: {  	v3 =	vld [tilespmem:$0x590];
	_ =	sdelay $0x4  }
0x1e4: {  	v57 =	vshll.u32 v3, $0x1  }
0x1e5: {  	v3 =	vand.u32 $0x7, v3;
	v4 =	vand.u32 $0xFFFFFFF0, v57  }
0x1e6: {  	v3 =	vor.u32 v3, v4  }
0x1e7: {  	v4 =	vperm.xlane v3, v0;
	_ =	sdelay $0x1  }
0x1e8: {  	v3 =	vperm.xlane v3, v2;
	v4 =	vadd.s32 v1, v4;
	_ =	sdelay $0x1  }
0x1e9: {  	v3 =	vadd.s32 v1, v3;
	_ =	sdelay $0x1  }
0x1ea: {  	s19 =	simm.s32 $0x1600  }
0x1eb: {  	[tilespmem:s19], [sflag:$0x1] =	stream.indirect_vreg.gather [hbm4b:s1+s3], $0x80, v4, vm0, $0xb8;
	[tilespmem:$0x18600] =	vst v63  }
0x1ec: {  	s19 =	simm.s32 $0x1E00  }
0x1ed: {  	[tilespmem:s19], [sflag:$0x1] =	stream.indirect_vreg.gather [hbm4b:s1+s3], $0x80, v3, vm0, $0xb8;
	[tilespmem:$0x18600] =	vst v63  }
0x1ee: {  	_ =	swait.ge [sflag:s11], $0x2000  }
0x1ef: {  	[sflag:s11] =	ssyncset.done $0x0  }
0x1f0: {  	s19 =	rddreg [dreg:$0x8];
	[sflag:s11] =	ssyncadd.s32 $0xFFFFE000  }
0x1f1: {  	[hbm4b:s19+s3] =	stream.linear.scatter [tilespmem:s20], [sflag:$0xF], $0x2000, $0x38;
	[tilespmem:$0x18600] =	vst v63  }
0x1f2: {  	_ =	swait.ge [sflag:s13], $0x2000  }
0x1f3: {  	[sflag:s13] =	ssyncset.done $0x0  }
0x1f4: {  	[sflag:s13] =	ssyncadd.s32 $0xFFFFE000  }
0x1f5: {  	v3 =	vld [tilespmem:$0x5A0];
	_ =	sdelay $0x4  }
0x1f6: {  	v58 =	vshll.u32 v3, $0x1  }
0x1f7: {  	v3 =	vand.u32 $0x7, v3;
	v4 =	vand.u32 $0xFFFFFFF0, v58  }
0x1f8: {  	v3 =	vor.u32 v3, v4  }
0x1f9: {  	v4 =	vperm.xlane v3, v0;
	_ =	sdelay $0x1  }
0x1fa: {  	v3 =	vperm.xlane v3, v2;
	v4 =	vadd.s32 v1, v4;
	_ =	sdelay $0x1  }
0x1fb: {  	v3 =	vadd.s32 v1, v3;
	_ =	sdelay $0x2  }
0x1fc: {  	[tilespmem:s16], [sflag:$0x2] =	stream.indirect_vreg.gather [hbm4b:s1+s3], $0x80, v4, vm0, $0xb8;
	[tilespmem:$0x18600] =	vst v63  }
0x1fd: {  	s19 =	simm.s32 $0x2E00  }
0x1fe: {  	[tilespmem:s19], [sflag:$0x2] =	stream.indirect_vreg.gather [hbm4b:s1+s3], $0x80, v3, vm0, $0xb8;
	[tilespmem:$0x18600] =	vst v63  }
0x1ff: {  	v3 =	vld [tilespmem:$0x5B0];
	_ =	sdelay $0x4  }
0x200: {  	v59 =	vshll.u32 v3, $0x1  }
0x201: {  	v3 =	vand.u32 $0x7, v3;
	v4 =	vand.u32 $0xFFFFFFF0, v59  }
0x202: {  	v3 =	vor.u32 v3, v4  }
0x203: {  	v4 =	vperm.xlane v3, v0;
	_ =	sdelay $0x1  }
0x204: {  	v3 =	vperm.xlane v3, v2;
	v4 =	vadd.s32 v1, v4;
	_ =	sdelay $0x1  }
0x205: {  	v3 =	vadd.s32 v1, v3;
	_ =	sdelay $0x1  }
0x206: {  	s19 =	simm.s32 $0x3600  }
0x207: {  	[tilespmem:s19], [sflag:$0x2] =	stream.indirect_vreg.gather [hbm4b:s1+s3], $0x80, v4, vm0, $0xb8;
	[tilespmem:$0x18600] =	vst v63  }
0x208: {  	s19 =	simm.s32 $0x3E00  }
0x209: {  	[tilespmem:s19], [sflag:$0x2] =	stream.indirect_vreg.gather [hbm4b:s1+s3], $0x80, v3, vm0, $0xb8;
	[tilespmem:$0x18600] =	vst v63  }
0x20a: {  	_ =	swait.ge [sflag:s14], $0x2000  }
0x20b: {  	[sflag:s14] =	ssyncset.done $0x0  }
0x20c: {  	s19 =	rddreg [dreg:$0x9];
	[sflag:s14] =	ssyncadd.s32 $0xFFFFE000  }
0x20d: {  	[hbm4b:s19+s3] =	stream.linear.scatter [tilespmem:s0], [sflag:$0x10], $0x2000, $0x38;
	[tilespmem:$0x18600] =	vst v63  }
0x20e: {  	_ =	swait.ge [sflag:s15], $0x2000  }
0x20f: {  	[sflag:s15] =	ssyncset.done $0x0  }
0x210: {  	[sflag:s15] =	ssyncadd.s32 $0xFFFFE000  }
0x211: {  	v3 =	vld [tilespmem:$0x5C0];
	_ =	sdelay $0x4  }
0x212: {  	v60 =	vshll.u32 v3, $0x1  }
0x213: {  	v3 =	vand.u32 $0x7, v3;
	v4 =	vand.u32 $0xFFFFFFF0, v60  }
0x214: {  	v3 =	vor.u32 v3, v4  }
0x215: {  	v4 =	vperm.xlane v3, v0;
	_ =	sdelay $0x1  }
0x216: {  	v3 =	vperm.xlane v3, v2;
	v4 =	vadd.s32 v1, v4;
	_ =	sdelay $0x1  }
0x217: {  	v3 =	vadd.s32 v1, v3;
	_ =	sdelay $0x2  }
0x218: {  	[tilespmem:s20], [sflag:$0x3] =	stream.indirect_vreg.gather [hbm4b:s1+s3], $0x80, v4, vm0, $0xb8;
	[tilespmem:$0x18600] =	vst v63  }
0x219: {  	_ = 	snop  }
0x21a: {  	[tilespmem:s28], [sflag:$0x3] =	stream.indirect_vreg.gather [hbm4b:s1+s3], $0x80, v3, vm0, $0xb8;
	[tilespmem:$0x18600] =	vst v63  }
0x21b: {  	v3 =	vld [tilespmem:$0x5D0];
	_ =	sdelay $0x4  }
0x21c: {  	v61 =	vshll.u32 v3, $0x1  }
0x21d: {  	v3 =	vand.u32 $0x7, v3;
	v4 =	vand.u32 $0xFFFFFFF0, v61  }
0x21e: {  	v3 =	vor.u32 v3, v4  }
0x21f: {  	v4 =	vperm.xlane v3, v0;
	_ =	sdelay $0x1  }
0x220: {  	v3 =	vperm.xlane v3, v2;
	v4 =	vadd.s32 v1, v4;
	_ =	sdelay $0x1  }
0x221: {  	v3 =	vadd.s32 v1, v3;
	_ =	sdelay $0x2  }
0x222: {  	[tilespmem:s29], [sflag:$0x3] =	stream.indirect_vreg.gather [hbm4b:s1+s3], $0x80, v4, vm0, $0xb8;
	[tilespmem:$0x18600] =	vst v63  }
0x223: {  	s19 =	simm.s32 $0x5  }
0x224: {  	[tilespmem:s30], [sflag:$0x3] =	stream.indirect_vreg.gather [hbm4b:s1+s3], $0x80, v3, vm0, $0xb8;
	[tilespmem:$0x18600] =	vst v63  }
0x225: {  	_ =	swait.ge [sflag:s19], $0x2000  }
0x226: {  	[sflag:s19] =	ssyncset.done $0x0  }
0x227: {  	s17 =	rddreg [dreg:$0xa];
	[sflag:s19] =	ssyncadd.s32 $0xFFFFE000  }
0x228: {  	[hbm4b:s17+s3] =	stream.linear.scatter [tilespmem:s6], [sflag:$0x11], $0x2000, $0x38;
	[tilespmem:$0x18600] =	vst v63  }
0x229: {  	_ =	swait.ge [sflag:s18], $0x2000  }
0x22a: {  	[sflag:s18] =	ssyncset.done $0x0  }
0x22b: {  	[sflag:s18] =	ssyncadd.s32 $0xFFFFE000  }
0x22c: {  	v3 =	vld [tilespmem:$0x5E0];
	_ =	sdelay $0x4  }
0x22d: {  	v62 =	vshll.u32 v3, $0x1  }
0x22e: {  	v3 =	vand.u32 $0x7, v3;
	v4 =	vand.u32 $0xFFFFFFF0, v62  }
0x22f: {  	v3 =	vor.u32 v3, v4  }
0x230: {  	v4 =	vperm.xlane v3, v0;
	_ =	sdelay $0x1  }
0x231: {  	v3 =	vperm.xlane v3, v2;
	v4 =	vadd.s32 v1, v4;
	_ =	sdelay $0x1  }
0x232: {  	v3 =	vadd.s32 v1, v3;
	_ =	sdelay $0x2  }
0x233: {  	[tilespmem:s0], [sflag:$0x4] =	stream.indirect_vreg.gather [hbm4b:s1+s3], $0x80, v4, vm0, $0xb8;
	[tilespmem:$0x18600] =	vst v63  }
0x234: {  	_ = 	snop  }
0x235: {  	[tilespmem:s31], [sflag:$0x4] =	stream.indirect_vreg.gather [hbm4b:s1+s3], $0x80, v3, vm0, $0xb8;
	[tilespmem:$0x18600] =	vst v63  }
0x236: {  	v3 =	vld [tilespmem:$0x5F0];
	_ =	sdelay $0x4  }
0x237: {  	v63 =	vshll.u32 v3, $0x1  }
0x238: {  	v3 =	vand.u32 $0x7, v3;
	v4 =	vand.u32 $0xFFFFFFF0, v63  }
0x239: {  	v3 =	vor.u32 v3, v4  }
0x23a: {  	v4 =	vperm.xlane v3, v0;
	_ =	sdelay $0x1  }
0x23b: {  	v3 =	vperm.xlane v3, v2;
	v4 =	vadd.s32 v1, v4;
	_ =	sdelay $0x1  }
0x23c: {  	v3 =	vadd.s32 v1, v3;
	_ =	sdelay $0x2  }
0x23d: {  	[tilespmem:s21], [sflag:$0x4] =	stream.indirect_vreg.gather [hbm4b:s1+s3], $0x80, v4, vm0, $0xb8;
	[tilespmem:$0x18600] =	vst v63  }
0x23e: {  	s19 =	simm.s32 $0x6  }
0x23f: {  	[tilespmem:s4], [sflag:$0x4] =	stream.indirect_vreg.gather [hbm4b:s1+s3], $0x80, v3, vm0, $0xb8;
	[tilespmem:$0x18600] =	vst v63  }
0x240: {  	_ =	swait.ge [sflag:s19], $0x2000  }
0x241: {  	[sflag:s19] =	ssyncset.done $0x0  }
0x242: {  	s21 =	rddreg [dreg:$0xb];
	[sflag:s19] =	ssyncadd.s32 $0xFFFFE000;
	s19 =	simm.s32 $0x7  }
0x243: {  	[hbm4b:s21+s3] =	stream.linear.scatter [tilespmem:s7], [sflag:$0x12], $0x2000, $0x38;
	[tilespmem:$0x18600] =	vst v63  }
0x244: {  	_ =	swait.ge [sflag:s19], $0x2000  }
0x245: {  	[sflag:s19] =	ssyncset.done $0x0  }
0x246: {  	s21 =	rddreg [dreg:$0xc];
	[sflag:s19] =	ssyncadd.s32 $0xFFFFE000;
	s19 =	simm.s32 $0x8  }
0x247: {  	[hbm4b:s21+s3] =	stream.linear.scatter [tilespmem:s8], [sflag:$0x13], $0x2000, $0x38;
	[tilespmem:$0x18600] =	vst v63  }
0x248: {  	_ =	swait.ge [sflag:s19], $0x2000  }
0x249: {  	[sflag:s19] =	ssyncset.done $0x0  }
0x24a: {  	s17 =	simm.s32 $0x9;
	s21 =	rddreg [dreg:$0xd];
	[sflag:s19] =	ssyncadd.s32 $0xFFFFE000  }
0x24b: {  	[hbm4b:s21+s3] =	stream.linear.scatter [tilespmem:s2], [sflag:$0x14], $0x2000, $0x38;
	[tilespmem:$0x18600] =	vst v63  }
0x24c: {  	_ =	swait.ge [sflag:s17], $0x2000  }
0x24d: {  	[sflag:s17] =	ssyncset.done $0x0  }
0x24e: {  	s21 =	simm.s32 $0xA;
	s19 =	rddreg [dreg:$0xe];
	[sflag:s17] =	ssyncadd.s32 $0xFFFFE000  }
0x24f: {  	[hbm4b:s19+s3] =	stream.linear.scatter [tilespmem:s22], [sflag:$0x15], $0x2000, $0x38;
	[tilespmem:$0x18600] =	vst v63  }
0x250: {  	_ =	swait.ge [sflag:s21], $0x2000  }
0x251: {  	[sflag:s21] =	ssyncset.done $0x0  }
0x252: {  	s17 =	simm.s32 $0xB;
	s4 =	rddreg [dreg:$0xf];
	[sflag:s21] =	ssyncadd.s32 $0xFFFFE000  }
0x253: {  	[hbm4b:s4+s3] =	stream.linear.scatter [tilespmem:s23], [sflag:$0x16], $0x2000, $0x38;
	[tilespmem:$0x18600] =	vst v63  }
0x254: {  	_ =	swait.ge [sflag:s17], $0x2000  }
0x255: {  	[sflag:s17] =	ssyncset.done $0x0  }
0x256: {  	s21 =	simm.s32 $0xC;
	s19 =	rddreg [dreg:$0x10];
	[sflag:s17] =	ssyncadd.s32 $0xFFFFE000  }
0x257: {  	[hbm4b:s19+s3] =	stream.linear.scatter [tilespmem:s24], [sflag:$0x17], $0x2000, $0x38;
	[tilespmem:$0x18600] =	vst v63  }
0x258: {  	_ =	swait.ge [sflag:s21], $0x2000  }
0x259: {  	[sflag:s21] =	ssyncset.done $0x0  }
0x25a: {  	s4 =	rddreg [dreg:$0x11];
	[sflag:s21] =	ssyncadd.s32 $0xFFFFE000  }
0x25b: {  	[hbm4b:s4+s3] =	stream.linear.scatter [tilespmem:s25], [sflag:$0x18], $0x2000, $0x38;
	[tilespmem:$0x18600] =	vst v63  }
0x25c: {  	_ =	swait.ge [sflag:s26], $0x2000  }
0x25d: {  	[sflag:s26] =	ssyncset.done $0x0  }
0x25e: {  	s19 =	rddreg [dreg:$0x12];
	[sflag:s26] =	ssyncadd.s32 $0xFFFFE000  }
0x25f: {  	[hbm4b:s19+s3] =	stream.linear.scatter [tilespmem:s12], [sflag:$0xD], $0x2000, $0x38;
	[tilespmem:$0x18600] =	vst v63  }
0x260: {  	_ =	swait.ge [sflag:s9], $0x2000  }
0x261: {  	[sflag:s9] =	ssyncset.done $0x0  }
0x262: {  	s21 =	rddreg [dreg:$0x13];
	[sflag:s9] =	ssyncadd.s32 $0xFFFFE000  }
0x263: {  	[hbm4b:s21+s3] =	stream.linear.scatter [tilespmem:s16], [sflag:$0xE], $0x2000, $0x38;
	[tilespmem:$0x18600] =	vst v63  }
0x264: {  	_ =	swait.ge [sflag:s11], $0x2000  }
0x265: {  	[sflag:s11] =	ssyncset.done $0x0  }
0x266: {  	s2 =	rddreg [dreg:$0x14];
	[sflag:s11] =	ssyncadd.s32 $0xFFFFE000  }
0x267: {  	[hbm4b:s2+s3] =	stream.linear.scatter [tilespmem:s20], [sflag:$0xF], $0x2000, $0x38;
	[tilespmem:$0x18600] =	vst v63  }
0x268: {  	_ =	swait.ge [sflag:s14], $0x2000  }
0x269: {  	[sflag:s14] =	ssyncset.done $0x0  }
0x26a: {  	s17 =	simm.s32 $0x11;
	s4 =	rddreg [dreg:$0x15];
	[sflag:s14] =	ssyncadd.s32 $0xFFFFE000  }
0x26b: {  	[hbm4b:s4+s3] =	stream.linear.scatter [tilespmem:s0], [sflag:$0x10], $0x2000, $0x38;
	[tilespmem:$0x18600] =	vst v63  }
0x26c: {  	_ =	swait.ge [sflag:s17], $0x2000  }
0x26d: {  	[sflag:s17] =	ssyncset.done $0x0  }
0x26e: {  	s19 =	simm.s32 $0x12;
	[sflag:s17] =	ssyncadd.s32 $0xFFFFE000  }
0x26f: {  	_ =	swait.ge [sflag:s19], $0x2000  }
0x270: {  	[sflag:s19] =	ssyncset.done $0x0  }
0x271: {  	s21 =	simm.s32 $0x13;
	[sflag:s19] =	ssyncadd.s32 $0xFFFFE000  }
0x272: {  	_ =	swait.ge [sflag:s21], $0x2000  }
0x273: {  	[sflag:s21] =	ssyncset.done $0x0  }
0x274: {  	s2 =	simm.s32 $0x14;
	[sflag:s21] =	ssyncadd.s32 $0xFFFFE000  }
0x275: {  	_ =	swait.ge [sflag:s2], $0x2000  }
0x276: {  	[sflag:s2] =	ssyncset.done $0x0  }
0x277: {  	s4 =	simm.s32 $0x15;
	[sflag:s2] =	ssyncadd.s32 $0xFFFFE000  }
0x278: {  	_ =	swait.ge [sflag:s4], $0x2000  }
0x279: {  	[sflag:s4] =	ssyncset.done $0x0  }
0x27a: {  	s17 =	simm.s32 $0x16;
	[sflag:s4] =	ssyncadd.s32 $0xFFFFE000  }
0x27b: {  	_ =	swait.ge [sflag:s17], $0x2000  }
0x27c: {  	[sflag:s17] =	ssyncset.done $0x0  }
0x27d: {  	s19 =	simm.s32 $0x17;
	[sflag:s17] =	ssyncadd.s32 $0xFFFFE000  }
0x27e: {  	_ =	swait.ge [sflag:s19], $0x2000  }
0x27f: {  	[sflag:s19] =	ssyncset.done $0x0  }
0x280: {  	s21 =	simm.s32 $0x18;
	[sflag:s19] =	ssyncadd.s32 $0xFFFFE000  }
0x281: {  	_ =	swait.ge [sflag:s21], $0x2000  }
0x282: {  	[sflag:s21] =	ssyncset.done $0x0  }
0x283: {  	[sflag:s21] =	ssyncadd.s32 $0xFFFFE000  }
0x284: {  	_ =	swait.ge [sflag:s10], $0x2000  }
0x285: {  	[sflag:s10] =	ssyncset.done $0x0  }
0x286: {  	[sflag:s10] =	ssyncadd.s32 $0xFFFFE000  }
0x287: {  	_ =	swait.ge [sflag:s13], $0x2000  }
0x288: {  	[sflag:s13] =	ssyncset.done $0x0  }
0x289: {  	[sflag:s13] =	ssyncadd.s32 $0xFFFFE000  }
0x28a: {  	p0 =	sne.s32 s5, $0x1;
	_ =	swait.ge [sflag:s15], $0x2000  }
.Ltmp0:
0x28b: {  	[sflag:s15] =	ssyncset.done $0x0;
	(pc) =	sbr.rel @p0 .LBB2_1-.Ltmp0, $4  }
0x28c: {  	[sflag:s15] =	ssyncadd.s32 $0xFFFFE000  }
0x28d: {  	_ =	swait.ge [sflag:s18], $0x2000  }
0x28e: {  	[sflag:s18] =	ssyncset.done $0x0  }
0x28f: {  	s5 =	sadd.s32 $0xFFFFFFFF, s5;
	[sflag:s18] =	ssyncadd.s32 $0xFFFFE000  }
0x290: {  	_ =	sfence.sel $0x180000  }
0x291: {  	[bflag:$0x0] =	sbarrier.arrive $0xFFFF  }
0x292: {  	_ =	strace $0x90000047  }
0x293: {  	s0 =	stileid.u32;
	[bflag:$0x2] =	sbarrier.arrive $0xFFFF  }
0x294: {  	p0 =	sne.s32 s0, $0x0;
	s0 =	rddreg [dreg:$0x4]  }
0x295: {  	s0 =	sadd.s32 @!p0 $0x100000, s0  }
0x296: {  	[sflag:s0] =	ssyncadd.tile.s32 @!p0 $0x1;
	_ =	shalt  }
.Lfunc_end2:
_tile_overlayer_lowered:
.L_overlay_start_2:
0x297: {  	(tag) =	ssettag $0x2  }
0x298: {  	s0 =	rddreg [dreg:$0x0];
	s2 =	stileid.u32  }
0x299: {  	s1 =	rddreg [dreg:$0x1];
	p0 =	sne.s32 s2, $0x0  }
0x29a: {  	s3 =	rddreg [dreg:$0x2];
	[bflag:$0x3] =	sbarrier.arrive $0xFFFF;
	s2 =	simm.s32 @!p0 $0x1C1B  }
0x29b: {  	[timem:s3], [sflag:s2] =	dma.local @!p0 [hbm:s0], s1  }
0x29c: {  	s0 =	simm.s32 @!p0 $0x1B  }
0x29d: {  	_ =	swait.ge @!p0 [sflag:s0], s1  }
0x29e: {  	s1 =	ssub.s32 @!p0 $0x0, s1;
	[sflag:s0] =	ssyncset.done @!p0 $0x0  }
0x29f: {  	[sflag:s0] =	ssyncadd.s32 @!p0 s1  }
0x2a0: {  	[bflag:$0x3] =	sbarrier.arrive $0xFFFF  }
0x2a1: {  	_ =	shalt  }

</sc_bundles>
